<compile_context>
chip_gen: v7x
topology: tpu7x:2x2x1
jax: 0.10.2.dev20260603
libtpu: 0.0.44.dev20260713+nightly
codegen_flags: <defaults>
</compile_context>

<pallas_src>
import functools

import jax
import jax.numpy as jnp
from jax import lax
from jax.experimental import pallas as pl
from jax.experimental.pallas import tpu as pltpu
from jax.experimental.pallas import tpu_sc as plsc

BATCH = 16384
EMBED_DIM = 16
NUM_NUMERIC = 6
EPS = 1e-5
ROWS_PER_BLOCK = 8
BLK = ROWS_PER_BLOCK * EMBED_DIM
LANES = 16
NUM_CH = 1000000
RUN_SHIFT = 14
RUN = 1 << RUN_SHIFT
T_CH = RUN * ROWS_PER_BLOCK
N_TSTEPS = -(-NUM_CH // T_CH)
NUM_BLOCKS = N_TSTEPS * RUN


def _transpose_body(in_ref, out_ref):
    x = in_ref[...]
    stacked = jnp.concatenate(
        [x[:, o * RUN:(o + 1) * RUN] for o in range(ROWS_PER_BLOCK)], axis=0
    )
    out_ref[...] = stacked.T


@functools.cache
def _make_sc_gather():
    info = plsc.get_sparse_core_info()
    nc, ns = info.num_cores, info.num_subcores
    b_per_w = BATCH // (nc * ns)
    n_groups = b_per_w // LANES
    mesh = plsc.VectorSubcoreMesh(core_axis_name="c", subcore_axis_name="s")

    @functools.partial(
        pl.kernel,
        mesh=mesh,
        out_type=jax.ShapeDtypeStruct((BATCH, EMBED_DIM), jnp.float32),
        scratch_types=[
            pltpu.VMEM((b_per_w,), jnp.int32),
            pltpu.VMEM((b_per_w,), jnp.int32),
            pltpu.VMEM((b_per_w, EMBED_DIM), jnp.float32),
            pltpu.SemaphoreType.DMA,
        ],
        compiler_params=pltpu.CompilerParams(use_tc_tiling_on_sc=False),
    )
    def _sc_gather(table_hbm, idx_hbm, out_hbm, idx_v, row_v, rows_v, sem):
        wid = lax.axis_index("s") * nc + lax.axis_index("c")
        base = wid * b_per_w
        pltpu.sync_copy(idx_hbm.at[pl.ds(base, b_per_w)], idx_v)
        for i in range(n_groups):
            sl = pl.ds(i * LANES, LANES)
            v = idx_v[sl]
            q = lax.shift_right_logical(v, RUN_SHIFT + 3)
            o = lax.shift_right_logical(v, RUN_SHIFT) & (ROWS_PER_BLOCK - 1)
            row_v[sl] = (
                lax.shift_left(q, RUN_SHIFT + 3)
                | lax.shift_left(v & (RUN - 1), 3)
                | o
            )
        pltpu.async_copy(table_hbm.at[row_v], rows_v, sem).wait()
        pltpu.sync_copy(rows_v, out_hbm.at[pl.ds(base, b_per_w)])

    return _sc_gather


def _mlp_body(g_ref, nf_ref, w1e_ref, w1n_ref, b1_ref, g1_ref, be1_ref,
              w2_ref, b2_ref, g2_ref, be2_ref, w3_ref, b3_ref, out_ref):
    h = jnp.dot(g_ref[...], w1e_ref[...], preferred_element_type=jnp.float32)
    h = h + jnp.dot(nf_ref[...], w1n_ref[...], preferred_element_type=jnp.float32)
    h = jnp.maximum(h + b1_ref[...], 0.0)
    mean = jnp.mean(h, axis=0, keepdims=True)
    var = jnp.mean((h - mean) ** 2, axis=0, keepdims=True)
    h = g1_ref[...] * ((h - mean) / jnp.sqrt(var + EPS)) + be1_ref[...]
    h = jnp.dot(h, w2_ref[...], preferred_element_type=jnp.float32)
    h = jnp.maximum(h + b2_ref[...], 0.0)
    mean2 = jnp.mean(h, axis=0, keepdims=True)
    var2 = jnp.mean((h - mean2) ** 2, axis=0, keepdims=True)
    h = g2_ref[...] * ((h - mean2) / jnp.sqrt(var2 + EPS)) + be2_ref[...]
    out_ref[...] = (
        jnp.dot(h, w3_ref[...], preferred_element_type=jnp.float32) + b3_ref[...]
    )


def kernel(channel_ids, numeric_features, emb, W1, b1, g1, be1,
           W2, b2, g2, be2, W3, b3):
    emb_t = emb.T
    table_blk = pl.pallas_call(
        _transpose_body,
        grid=(N_TSTEPS,),
        in_specs=[pl.BlockSpec((EMBED_DIM, T_CH), lambda i: (0, i))],
        out_specs=pl.BlockSpec((RUN, BLK), lambda i: (i, 0)),
        out_shape=jax.ShapeDtypeStruct((NUM_BLOCKS, BLK), jnp.float32),
    )(emb_t)
    table_rows = table_blk.reshape(NUM_BLOCKS * ROWS_PER_BLOCK, EMBED_DIM)
    gathered = _make_sc_gather()(table_rows, channel_ids)
    out = pl.pallas_call(
        _mlp_body,
        out_shape=jax.ShapeDtypeStruct((BATCH, 1), jnp.float32),
    )(
        gathered,
        numeric_features,
        W1[:, :EMBED_DIM].T,
        W1[:, EMBED_DIM:].T,
        b1.reshape(1, -1),
        g1.reshape(1, -1),
        be1.reshape(1, -1),
        W2.T,
        b2.reshape(1, -1),
        g2.reshape(1, -1),
        be2.reshape(1, -1),
        W3.T,
        b3.reshape(1, 1),
    )
    return out[:, 0]

# --- scband reference (transcript-rebuilt; emitter-appended) ---
"""Pipeline reference for scband-views-predictor-62328565400307 (READ-ONLY COPY).

The authoritative reference and input builder live on the scoring server;
editing this copy changes nothing except your own understanding.
"""

import jax, jax.numpy as jnp
import numpy as np

NUM_CHANNELS = 1000000
EMBED_DIM = 16
NUM_NUMERIC = 6
BATCH = 16384
EPS = 1e-5

def setup_inputs(seed: int = 0) -> dict:
    key = jax.random.key(seed)
    ks = jax.random.split(key, 12)
    channel_ids = jax.random.randint(ks[0], (BATCH,), 0, NUM_CHANNELS, dtype=jnp.int64 if jax.config.jax_enable_x64 else jnp.int32)
    numeric_features = jax.random.normal(ks[1], (BATCH, NUM_NUMERIC), dtype=jnp.float32)
    emb = jax.random.normal(ks[2], (NUM_CHANNELS, EMBED_DIM), dtype=jnp.float32)
    d_in = EMBED_DIM + NUM_NUMERIC
    W1 = jax.random.normal(ks[3], (64, d_in), dtype=jnp.float32) * (1.0 / np.sqrt(d_in))
    b1 = jnp.zeros((64,), dtype=jnp.float32)
    g1 = jnp.ones((64,), dtype=jnp.float32)
    be1 = jnp.zeros((64,), dtype=jnp.float32)
    W2 = jax.random.normal(ks[4], (32, 64), dtype=jnp.float32) * (1.0 / np.sqrt(64))
    b2 = jnp.zeros((32,), dtype=jnp.float32)
    g2 = jnp.ones((32,), dtype=jnp.float32)
    be2 = jnp.zeros((32,), dtype=jnp.float32)
    W3 = jax.random.normal(ks[5], (1, 32), dtype=jnp.float32) * (1.0 / np.sqrt(32))
    b3 = jnp.zeros((1,), dtype=jnp.float32)
    return {"channel_ids": channel_ids, "numeric_features": numeric_features, "emb": emb,
            "W1": W1, "b1": b1, "g1": g1, "be1": be1,
            "W2": W2, "b2": b2, "g2": g2, "be2": be2,
            "W3": W3, "b3": b3}

def _batchnorm(x, gamma, beta):
    mean = jnp.mean(x, axis=0, keepdims=True)
    var = jnp.mean((x - mean) ** 2, axis=0, keepdims=True)
    return gamma * (x - mean) / jnp.sqrt(var + EPS) + beta

def reference(channel_ids, numeric_features, emb, W1, b1, g1, be1, W2, b2, g2, be2, W3, b3):
    channel_emb = jnp.take(emb, channel_ids, axis=0)
    combined = jnp.concatenate([channel_emb, numeric_features], axis=1)
    h = combined @ W1.T + b1
    h = jax.nn.relu(h)
    h = _batchnorm(h, g1, be1)
    # dropout is identity in inference reference
    h = h @ W2.T + b2
    h = jax.nn.relu(h)
    h = _batchnorm(h, g2, be2)
    out = h @ W3.T + b3
    return out.squeeze(1)

if __name__ == "__main__":
    import jax
    _d = setup_inputs()
    print(jax.jit(kernel)(*tuple(_d.values())))

</pallas_src>

<mosaic_0001>
#map = affine_map<(d0, d1) -> (0, 0)>
#map1 = affine_map<(d0, d1) -> (0)>
module attributes {stable_mosaic.version = 14 : i64} {
  func.func @_sc_gather(%arg0: i32, %arg1: i32, %arg2: memref<1048576x16xf32, #tpu.memory_space<hbm>>, %arg3: memref<16384xi32, #tpu.memory_space<hbm>>, %arg4: memref<16384x16xf32, #tpu.memory_space<hbm>>, %arg5: memref<512xi32, #tpu.memory_space<vmem>>, %arg6: memref<512xi32, #tpu.memory_space<vmem>>, %arg7: memref<512x16xf32, #tpu.memory_space<vmem>>, %arg8: memref<!tpu.dma_semaphore, #tpu.memory_space<semaphore_mem>>) attributes {dimension_semantics = [#tpu.dimension_semantics<core_parallel>, #tpu.dimension_semantics<subcore_parallel>], iteration_bounds = array<i64: 2, 16>, scalar_prefetch = 0 : i64, scratch_operands = 4 : i64, tpu.core_type = #tpu.core_type<sc_vector_subcore>, window_params = [{transform_indices = #map}, {transform_indices = #map1}, {transform_indices = #map}]} {
    %mul3A = arith.constant 2 : i32
    %mul3A_0 = arith.muli %arg1, %mul3A : i32
    %add3A = arith.addi %mul3A_0, %arg0 : i32
    %mul3A_1 = arith.constant 512 : i32
    %mul3A_2 = arith.muli %add3A, %mul3A_1 : i32
    "tpu.region"() ({
      %run_scoped3A = tpu.sem_alloc : memref<!tpu.dma_semaphore, #tpu.memory_space<semaphore_mem>>
      %dma_start3A_865 = tpu.memref_slice %arg3[%mul3A_2] : memref<16384xi32, #tpu.memory_space<hbm>> -> memref<512xi32, #tpu.memory_space<hbm>>
      %dma_start3A_866 = tpu.memref_slice %arg3[%mul3A_2] : memref<16384xi32, #tpu.memory_space<hbm>> -> memref<512xi32, #tpu.memory_space<hbm>>
      tpu.enqueue_dma source(%dma_start3A_866 : memref<512xi32, #tpu.memory_space<hbm>>) target(%arg5 : memref<512xi32, #tpu.memory_space<vmem>>) target_semaphore(%run_scoped3A : memref<!tpu.dma_semaphore, #tpu.memory_space<semaphore_mem>>)
      %dma_wait3A_867 = tpu.memref_slice %arg3[%mul3A_2] : memref<16384xi32, #tpu.memory_space<hbm>> -> memref<512xi32, #tpu.memory_space<hbm>>
      %dma_wait3A_868 = tpu.memref_slice %arg3[%mul3A_2] : memref<16384xi32, #tpu.memory_space<hbm>> -> memref<512xi32, #tpu.memory_space<hbm>>
      tpu.wait_dma2 semaphore(%run_scoped3A : memref<!tpu.dma_semaphore, #tpu.memory_space<semaphore_mem>>) src(%dma_wait3A_868 : memref<512xi32, #tpu.memory_space<hbm>>) dst(%arg5 : memref<512xi32, #tpu.memory_space<vmem>>)
      tpu.yield
    }) : () -> ()
    %get3A = arith.constant 0 : index
    %get3A_3 = tpu.vector_load %arg5[%get3A] {strides = array<i32>} : memref<512xi32, #tpu.memory_space<vmem>>, vector<16xi32>,
    %get3A_4 = vector.shape_cast %get3A_3 : vector<16xi32> to vector<16xi32>
    %shift_right_logical3A = arith.constant 17 : i32
    %shift_right_logical3A_5 = vector.broadcast %shift_right_logical3A : i32 to vector<16xi32>
    %shift_right_logical3A_6 = arith.shrui %get3A_4, %shift_right_logical3A_5 : vector<16xi32>
    %shift_right_logical3A_7 = arith.constant 14 : i32
    %shift_right_logical3A_8 = vector.broadcast %shift_right_logical3A_7 : i32 to vector<16xi32>
    %shift_right_logical3A_9 = arith.shrui %get3A_4, %shift_right_logical3A_8 : vector<16xi32>
    %and3A = arith.constant 7 : i32
    %and3A_10 = vector.broadcast %and3A : i32 to vector<16xi32>
    %and3A_11 = arith.andi %shift_right_logical3A_9, %and3A_10 : vector<16xi32>
    %shift_left3A = arith.constant 17 : i32
    %shift_left3A_12 = vector.broadcast %shift_left3A : i32 to vector<16xi32>
    %shift_left3A_13 = arith.shli %shift_right_logical3A_6, %shift_left3A_12 : vector<16xi32>
    %and3A_14 = arith.constant 16383 : i32
    %and3A_15 = vector.broadcast %and3A_14 : i32 to vector<16xi32>
    %and3A_16 = arith.andi %get3A_4, %and3A_15 : vector<16xi32>
    %shift_left3A_17 = arith.constant 3 : i32
    %shift_left3A_18 = vector.broadcast %shift_left3A_17 : i32 to vector<16xi32>
    %shift_left3A_19 = arith.shli %and3A_16, %shift_left3A_18 : vector<16xi32>
    %or3A = arith.ori %shift_left3A_13, %shift_left3A_19 : vector<16xi32>
    %or3A_20 = arith.ori %or3A, %and3A_11 : vector<16xi32>
    %swap3A = arith.constant 0 : index
    %swap3A_21 = tpu.vector_load %arg6[%swap3A] {strides = array<i32>} : memref<512xi32, #tpu.memory_space<vmem>>, vector<16xi32>,
    %swap3A_22 = vector.shape_cast %swap3A_21 : vector<16xi32> to vector<16xi32>
    %swap3A_23 = vector.shape_cast %or3A_20 : vector<16xi32> to vector<16xi32>
    tpu.vector_store %arg6[%swap3A], %swap3A_23 {strides = array<i32>} : memref<512xi32, #tpu.memory_space<vmem>>, vector<16xi32>,
    %get3A_24 = arith.constant 16 : index
    %get3A_25 = tpu.vector_load %arg5[%get3A_24] {strides = array<i32>} : memref<512xi32, #tpu.memory_space<vmem>>, vector<16xi32>,
    %get3A_26 = vector.shape_cast %get3A_25 : vector<16xi32> to vector<16xi32>
    %shift_right_logical3A_27 = arith.constant 17 : i32
    %shift_right_logical3A_28 = vector.broadcast %shift_right_logical3A_27 : i32 to vector<16xi32>
    %shift_right_logical3A_29 = arith.shrui %get3A_26, %shift_right_logical3A_28 : vector<16xi32>
    %shift_right_logical3A_30 = arith.constant 14 : i32
    %shift_right_logical3A_31 = vector.broadcast %shift_right_logical3A_30 : i32 to vector<16xi32>
    %shift_right_logical3A_32 = arith.shrui %get3A_26, %shift_right_logical3A_31 : vector<16xi32>
    %and3A_33 = arith.constant 7 : i32
    %and3A_34 = vector.broadcast %and3A_33 : i32 to vector<16xi32>
    %and3A_35 = arith.andi %shift_right_logical3A_32, %and3A_34 : vector<16xi32>
    %shift_left3A_36 = arith.constant 17 : i32
    %shift_left3A_37 = vector.broadcast %shift_left3A_36 : i32 to vector<16xi32>
    %shift_left3A_38 = arith.shli %shift_right_logical3A_29, %shift_left3A_37 : vector<16xi32>
    %and3A_39 = arith.constant 16383 : i32
    %and3A_40 = vector.broadcast %and3A_39 : i32 to vector<16xi32>
    %and3A_41 = arith.andi %get3A_26, %and3A_40 : vector<16xi32>
    %shift_left3A_42 = arith.constant 3 : i32
    %shift_left3A_43 = vector.broadcast %shift_left3A_42 : i32 to vector<16xi32>
    %shift_left3A_44 = arith.shli %and3A_41, %shift_left3A_43 : vector<16xi32>
    %or3A_45 = arith.ori %shift_left3A_38, %shift_left3A_44 : vector<16xi32>
    %or3A_46 = arith.ori %or3A_45, %and3A_35 : vector<16xi32>
    %swap3A_47 = arith.constant 16 : index
    %swap3A_48 = tpu.vector_load %arg6[%swap3A_47] {strides = array<i32>} : memref<512xi32, #tpu.memory_space<vmem>>, vector<16xi32>,
    %swap3A_49 = vector.shape_cast %swap3A_48 : vector<16xi32> to vector<16xi32>
    %swap3A_50 = vector.shape_cast %or3A_46 : vector<16xi32> to vector<16xi32>
    tpu.vector_store %arg6[%swap3A_47], %swap3A_50 {strides = array<i32>} : memref<512xi32, #tpu.memory_space<vmem>>, vector<16xi32>,
    %get3A_51 = arith.constant 32 : index
    %get3A_52 = tpu.vector_load %arg5[%get3A_51] {strides = array<i32>} : memref<512xi32, #tpu.memory_space<vmem>>, vector<16xi32>,
    %get3A_53 = vector.shape_cast %get3A_52 : vector<16xi32> to vector<16xi32>
    %shift_right_logical3A_54 = arith.constant 17 : i32
    %shift_right_logical3A_55 = vector.broadcast %shift_right_logical3A_54 : i32 to vector<16xi32>
    %shift_right_logical3A_56 = arith.shrui %get3A_53, %shift_right_logical3A_55 : vector<16xi32>
    %shift_right_logical3A_57 = arith.constant 14 : i32
    %shift_right_logical3A_58 = vector.broadcast %shift_right_logical3A_57 : i32 to vector<16xi32>
    %shift_right_logical3A_59 = arith.shrui %get3A_53, %shift_right_logical3A_58 : vector<16xi32>
    %and3A_60 = arith.constant 7 : i32
    %and3A_61 = vector.broadcast %and3A_60 : i32 to vector<16xi32>
    %and3A_62 = arith.andi %shift_right_logical3A_59, %and3A_61 : vector<16xi32>
    %shift_left3A_63 = arith.constant 17 : i32
    %shift_left3A_64 = vector.broadcast %shift_left3A_63 : i32 to vector<16xi32>
    %shift_left3A_65 = arith.shli %shift_right_logical3A_56, %shift_left3A_64 : vector<16xi32>
    %and3A_66 = arith.constant 16383 : i32
    %and3A_67 = vector.broadcast %and3A_66 : i32 to vector<16xi32>
    %and3A_68 = arith.andi %get3A_53, %and3A_67 : vector<16xi32>
    %shift_left3A_69 = arith.constant 3 : i32
    %shift_left3A_70 = vector.broadcast %shift_left3A_69 : i32 to vector<16xi32>
    %shift_left3A_71 = arith.shli %and3A_68, %shift_left3A_70 : vector<16xi32>
    %or3A_72 = arith.ori %shift_left3A_65, %shift_left3A_71 : vector<16xi32>
    %or3A_73 = arith.ori %or3A_72, %and3A_62 : vector<16xi32>
    %swap3A_74 = arith.constant 32 : index
    %swap3A_75 = tpu.vector_load %arg6[%swap3A_74] {strides = array<i32>} : memref<512xi32, #tpu.memory_space<vmem>>, vector<16xi32>,
    %swap3A_76 = vector.shape_cast %swap3A_75 : vector<16xi32> to vector<16xi32>
    %swap3A_77 = vector.shape_cast %or3A_73 : vector<16xi32> to vector<16xi32>
    tpu.vector_store %arg6[%swap3A_74], %swap3A_77 {strides = array<i32>} : memref<512xi32, #tpu.memory_space<vmem>>, vector<16xi32>,
    %get3A_78 = arith.constant 48 : index
    %get3A_79 = tpu.vector_load %arg5[%get3A_78] {strides = array<i32>} : memref<512xi32, #tpu.memory_space<vmem>>, vector<16xi32>,
    %get3A_80 = vector.shape_cast %get3A_79 : vector<16xi32> to vector<16xi32>
    %shift_right_logical3A_81 = arith.constant 17 : i32
    %shift_right_logical3A_82 = vector.broadcast %shift_right_logical3A_81 : i32 to vector<16xi32>
    %shift_right_logical3A_83 = arith.shrui %get3A_80, %shift_right_logical3A_82 : vector<16xi32>
    %shift_right_logical3A_84 = arith.constant 14 : i32
    %shift_right_logical3A_85 = vector.broadcast %shift_right_logical3A_84 : i32 to vector<16xi32>
    %shift_right_logical3A_86 = arith.shrui %get3A_80, %shift_right_logical3A_85 : vector<16xi32>
    %and3A_87 = arith.constant 7 : i32
    %and3A_88 = vector.broadcast %and3A_87 : i32 to vector<16xi32>
    %and3A_89 = arith.andi %shift_right_logical3A_86, %and3A_88 : vector<16xi32>
    %shift_left3A_90 = arith.constant 17 : i32
    %shift_left3A_91 = vector.broadcast %shift_left3A_90 : i32 to vector<16xi32>
    %shift_left3A_92 = arith.shli %shift_right_logical3A_83, %shift_left3A_91 : vector<16xi32>
    %and3A_93 = arith.constant 16383 : i32
    %and3A_94 = vector.broadcast %and3A_93 : i32 to vector<16xi32>
    %and3A_95 = arith.andi %get3A_80, %and3A_94 : vector<16xi32>
    %shift_left3A_96 = arith.constant 3 : i32
    %shift_left3A_97 = vector.broadcast %shift_left3A_96 : i32 to vector<16xi32>
    %shift_left3A_98 = arith.shli %and3A_95, %shift_left3A_97 : vector<16xi32>
    %or3A_99 = arith.ori %shift_left3A_92, %shift_left3A_98 : vector<16xi32>
    %or3A_100 = arith.ori %or3A_99, %and3A_89 : vector<16xi32>
    %swap3A_101 = arith.constant 48 : index
    %swap3A_102 = tpu.vector_load %arg6[%swap3A_101] {strides = array<i32>} : memref<512xi32, #tpu.memory_space<vmem>>, vector<16xi32>,
    %swap3A_103 = vector.shape_cast %swap3A_102 : vector<16xi32> to vector<16xi32>
    %swap3A_104 = vector.shape_cast %or3A_100 : vector<16xi32> to vector<16xi32>
    tpu.vector_store %arg6[%swap3A_101], %swap3A_104 {strides = array<i32>} : memref<512xi32, #tpu.memory_space<vmem>>, vector<16xi32>,
    %get3A_105 = arith.constant 64 : index
    %get3A_106 = tpu.vector_load %arg5[%get3A_105] {strides = array<i32>} : memref<512xi32, #tpu.memory_space<vmem>>, vector<16xi32>,
    %get3A_107 = vector.shape_cast %get3A_106 : vector<16xi32> to vector<16xi32>
    %shift_right_logical3A_108 = arith.constant 17 : i32
    %shift_right_logical3A_109 = vector.broadcast %shift_right_logical3A_108 : i32 to vector<16xi32>
    %shift_right_logical3A_110 = arith.shrui %get3A_107, %shift_right_logical3A_109 : vector<16xi32>
    %shift_right_logical3A_111 = arith.constant 14 : i32
    %shift_right_logical3A_112 = vector.broadcast %shift_right_logical3A_111 : i32 to vector<16xi32>
    %shift_right_logical3A_113 = arith.shrui %get3A_107, %shift_right_logical3A_112 : vector<16xi32>
    %and3A_114 = arith.constant 7 : i32
    %and3A_115 = vector.broadcast %and3A_114 : i32 to vector<16xi32>
    %and3A_116 = arith.andi %shift_right_logical3A_113, %and3A_115 : vector<16xi32>
    %shift_left3A_117 = arith.constant 17 : i32
    %shift_left3A_118 = vector.broadcast %shift_left3A_117 : i32 to vector<16xi32>
    %shift_left3A_119 = arith.shli %shift_right_logical3A_110, %shift_left3A_118 : vector<16xi32>
    %and3A_120 = arith.constant 16383 : i32
    %and3A_121 = vector.broadcast %and3A_120 : i32 to vector<16xi32>
    %and3A_122 = arith.andi %get3A_107, %and3A_121 : vector<16xi32>
    %shift_left3A_123 = arith.constant 3 : i32
    %shift_left3A_124 = vector.broadcast %shift_left3A_123 : i32 to vector<16xi32>
    %shift_left3A_125 = arith.shli %and3A_122, %shift_left3A_124 : vector<16xi32>
    %or3A_126 = arith.ori %shift_left3A_119, %shift_left3A_125 : vector<16xi32>
    %or3A_127 = arith.ori %or3A_126, %and3A_116 : vector<16xi32>
    %swap3A_128 = arith.constant 64 : index
    %swap3A_129 = tpu.vector_load %arg6[%swap3A_128] {strides = array<i32>} : memref<512xi32, #tpu.memory_space<vmem>>, vector<16xi32>,
    %swap3A_130 = vector.shape_cast %swap3A_129 : vector<16xi32> to vector<16xi32>
    %swap3A_131 = vector.shape_cast %or3A_127 : vector<16xi32> to vector<16xi32>
    tpu.vector_store %arg6[%swap3A_128], %swap3A_131 {strides = array<i32>} : memref<512xi32, #tpu.memory_space<vmem>>, vector<16xi32>,
    %get3A_132 = arith.constant 80 : index
    %get3A_133 = tpu.vector_load %arg5[%get3A_132] {strides = array<i32>} : memref<512xi32, #tpu.memory_space<vmem>>, vector<16xi32>,
    %get3A_134 = vector.shape_cast %get3A_133 : vector<16xi32> to vector<16xi32>
    %shift_right_logical3A_135 = arith.constant 17 : i32
    %shift_right_logical3A_136 = vector.broadcast %shift_right_logical3A_135 : i32 to vector<16xi32>
    %shift_right_logical3A_137 = arith.shrui %get3A_134, %shift_right_logical3A_136 : vector<16xi32>
    %shift_right_logical3A_138 = arith.constant 14 : i32
    %shift_right_logical3A_139 = vector.broadcast %shift_right_logical3A_138 : i32 to vector<16xi32>
    %shift_right_logical3A_140 = arith.shrui %get3A_134, %shift_right_logical3A_139 : vector<16xi32>
    %and3A_141 = arith.constant 7 : i32
    %and3A_142 = vector.broadcast %and3A_141 : i32 to vector<16xi32>
    %and3A_143 = arith.andi %shift_right_logical3A_140, %and3A_142 : vector<16xi32>
    %shift_left3A_144 = arith.constant 17 : i32
    %shift_left3A_145 = vector.broadcast %shift_left3A_144 : i32 to vector<16xi32>
    %shift_left3A_146 = arith.shli %shift_right_logical3A_137, %shift_left3A_145 : vector<16xi32>
    %and3A_147 = arith.constant 16383 : i32
    %and3A_148 = vector.broadcast %and3A_147 : i32 to vector<16xi32>
    %and3A_149 = arith.andi %get3A_134, %and3A_148 : vector<16xi32>
    %shift_left3A_150 = arith.constant 3 : i32
    %shift_left3A_151 = vector.broadcast %shift_left3A_150 : i32 to vector<16xi32>
    %shift_left3A_152 = arith.shli %and3A_149, %shift_left3A_151 : vector<16xi32>
    %or3A_153 = arith.ori %shift_left3A_146, %shift_left3A_152 : vector<16xi32>
    %or3A_154 = arith.ori %or3A_153, %and3A_143 : vector<16xi32>
    %swap3A_155 = arith.constant 80 : index
    %swap3A_156 = tpu.vector_load %arg6[%swap3A_155] {strides = array<i32>} : memref<512xi32, #tpu.memory_space<vmem>>, vector<16xi32>,
    %swap3A_157 = vector.shape_cast %swap3A_156 : vector<16xi32> to vector<16xi32>
    %swap3A_158 = vector.shape_cast %or3A_154 : vector<16xi32> to vector<16xi32>
    tpu.vector_store %arg6[%swap3A_155], %swap3A_158 {strides = array<i32>} : memref<512xi32, #tpu.memory_space<vmem>>, vector<16xi32>,
    %get3A_159 = arith.constant 96 : index
    %get3A_160 = tpu.vector_load %arg5[%get3A_159] {strides = array<i32>} : memref<512xi32, #tpu.memory_space<vmem>>, vector<16xi32>,
    %get3A_161 = vector.shape_cast %get3A_160 : vector<16xi32> to vector<16xi32>
    %shift_right_logical3A_162 = arith.constant 17 : i32
    %shift_right_logical3A_163 = vector.broadcast %shift_right_logical3A_162 : i32 to vector<16xi32>
    %shift_right_logical3A_164 = arith.shrui %get3A_161, %shift_right_logical3A_163 : vector<16xi32>
    %shift_right_logical3A_165 = arith.constant 14 : i32
    %shift_right_logical3A_166 = vector.broadcast %shift_right_logical3A_165 : i32 to vector<16xi32>
    %shift_right_logical3A_167 = arith.shrui %get3A_161, %shift_right_logical3A_166 : vector<16xi32>
    %and3A_168 = arith.constant 7 : i32
    %and3A_169 = vector.broadcast %and3A_168 : i32 to vector<16xi32>
    %and3A_170 = arith.andi %shift_right_logical3A_167, %and3A_169 : vector<16xi32>
    %shift_left3A_171 = arith.constant 17 : i32
    %shift_left3A_172 = vector.broadcast %shift_left3A_171 : i32 to vector<16xi32>
    %shift_left3A_173 = arith.shli %shift_right_logical3A_164, %shift_left3A_172 : vector<16xi32>
    %and3A_174 = arith.constant 16383 : i32
    %and3A_175 = vector.broadcast %and3A_174 : i32 to vector<16xi32>
    %and3A_176 = arith.andi %get3A_161, %and3A_175 : vector<16xi32>
    %shift_left3A_177 = arith.constant 3 : i32
    %shift_left3A_178 = vector.broadcast %shift_left3A_177 : i32 to vector<16xi32>
    %shift_left3A_179 = arith.shli %and3A_176, %shift_left3A_178 : vector<16xi32>
    %or3A_180 = arith.ori %shift_left3A_173, %shift_left3A_179 : vector<16xi32>
    %or3A_181 = arith.ori %or3A_180, %and3A_170 : vector<16xi32>
    %swap3A_182 = arith.constant 96 : index
    %swap3A_183 = tpu.vector_load %arg6[%swap3A_182] {strides = array<i32>} : memref<512xi32, #tpu.memory_space<vmem>>, vector<16xi32>,
    %swap3A_184 = vector.shape_cast %swap3A_183 : vector<16xi32> to vector<16xi32>
    %swap3A_185 = vector.shape_cast %or3A_181 : vector<16xi32> to vector<16xi32>
    tpu.vector_store %arg6[%swap3A_182], %swap3A_185 {strides = array<i32>} : memref<512xi32, #tpu.memory_space<vmem>>, vector<16xi32>,
    %get3A_186 = arith.constant 112 : index
    %get3A_187 = tpu.vector_load %arg5[%get3A_186] {strides = array<i32>} : memref<512xi32, #tpu.memory_space<vmem>>, vector<16xi32>,
    %get3A_188 = vector.shape_cast %get3A_187 : vector<16xi32> to vector<16xi32>
    %shift_right_logical3A_189 = arith.constant 17 : i32
    %shift_right_logical3A_190 = vector.broadcast %shift_right_logical3A_189 : i32 to vector<16xi32>
    %shift_right_logical3A_191 = arith.shrui %get3A_188, %shift_right_logical3A_190 : vector<16xi32>
    %shift_right_logical3A_192 = arith.constant 14 : i32
    %shift_right_logical3A_193 = vector.broadcast %shift_right_logical3A_192 : i32 to vector<16xi32>
    %shift_right_logical3A_194 = arith.shrui %get3A_188, %shift_right_logical3A_193 : vector<16xi32>
    %and3A_195 = arith.constant 7 : i32
    %and3A_196 = vector.broadcast %and3A_195 : i32 to vector<16xi32>
    %and3A_197 = arith.andi %shift_right_logical3A_194, %and3A_196 : vector<16xi32>
    %shift_left3A_198 = arith.constant 17 : i32
    %shift_left3A_199 = vector.broadcast %shift_left3A_198 : i32 to vector<16xi32>
    %shift_left3A_200 = arith.shli %shift_right_logical3A_191, %shift_left3A_199 : vector<16xi32>
    %and3A_201 = arith.constant 16383 : i32
    %and3A_202 = vector.broadcast %and3A_201 : i32 to vector<16xi32>
    %and3A_203 = arith.andi %get3A_188, %and3A_202 : vector<16xi32>
    %shift_left3A_204 = arith.constant 3 : i32
    %shift_left3A_205 = vector.broadcast %shift_left3A_204 : i32 to vector<16xi32>
    %shift_left3A_206 = arith.shli %and3A_203, %shift_left3A_205 : vector<16xi32>
    %or3A_207 = arith.ori %shift_left3A_200, %shift_left3A_206 : vector<16xi32>
    %or3A_208 = arith.ori %or3A_207, %and3A_197 : vector<16xi32>
    %swap3A_209 = arith.constant 112 : index
    %swap3A_210 = tpu.vector_load %arg6[%swap3A_209] {strides = array<i32>} : memref<512xi32, #tpu.memory_space<vmem>>, vector<16xi32>,
    %swap3A_211 = vector.shape_cast %swap3A_210 : vector<16xi32> to vector<16xi32>
    %swap3A_212 = vector.shape_cast %or3A_208 : vector<16xi32> to vector<16xi32>
    tpu.vector_store %arg6[%swap3A_209], %swap3A_212 {strides = array<i32>} : memref<512xi32, #tpu.memory_space<vmem>>, vector<16xi32>,
    %get3A_213 = arith.constant 128 : index
    %get3A_214 = tpu.vector_load %arg5[%get3A_213] {strides = array<i32>} : memref<512xi32, #tpu.memory_space<vmem>>, vector<16xi32>,
    %get3A_215 = vector.shape_cast %get3A_214 : vector<16xi32> to vector<16xi32>
    %shift_right_logical3A_216 = arith.constant 17 : i32
    %shift_right_logical3A_217 = vector.broadcast %shift_right_logical3A_216 : i32 to vector<16xi32>
    %shift_right_logical3A_218 = arith.shrui %get3A_215, %shift_right_logical3A_217 : vector<16xi32>
    %shift_right_logical3A_219 = arith.constant 14 : i32
    %shift_right_logical3A_220 = vector.broadcast %shift_right_logical3A_219 : i32 to vector<16xi32>
    %shift_right_logical3A_221 = arith.shrui %get3A_215, %shift_right_logical3A_220 : vector<16xi32>
    %and3A_222 = arith.constant 7 : i32
    %and3A_223 = vector.broadcast %and3A_222 : i32 to vector<16xi32>
    %and3A_224 = arith.andi %shift_right_logical3A_221, %and3A_223 : vector<16xi32>
    %shift_left3A_225 = arith.constant 17 : i32
    %shift_left3A_226 = vector.broadcast %shift_left3A_225 : i32 to vector<16xi32>
    %shift_left3A_227 = arith.shli %shift_right_logical3A_218, %shift_left3A_226 : vector<16xi32>
    %and3A_228 = arith.constant 16383 : i32
    %and3A_229 = vector.broadcast %and3A_228 : i32 to vector<16xi32>
    %and3A_230 = arith.andi %get3A_215, %and3A_229 : vector<16xi32>
    %shift_left3A_231 = arith.constant 3 : i32
    %shift_left3A_232 = vector.broadcast %shift_left3A_231 : i32 to vector<16xi32>
    %shift_left3A_233 = arith.shli %and3A_230, %shift_left3A_232 : vector<16xi32>
    %or3A_234 = arith.ori %shift_left3A_227, %shift_left3A_233 : vector<16xi32>
    %or3A_235 = arith.ori %or3A_234, %and3A_224 : vector<16xi32>
    %swap3A_236 = arith.constant 128 : index
    %swap3A_237 = tpu.vector_load %arg6[%swap3A_236] {strides = array<i32>} : memref<512xi32, #tpu.memory_space<vmem>>, vector<16xi32>,
    %swap3A_238 = vector.shape_cast %swap3A_237 : vector<16xi32> to vector<16xi32>
    %swap3A_239 = vector.shape_cast %or3A_235 : vector<16xi32> to vector<16xi32>
    tpu.vector_store %arg6[%swap3A_236], %swap3A_239 {strides = array<i32>} : memref<512xi32, #tpu.memory_space<vmem>>, vector<16xi32>,
    %get3A_240 = arith.constant 144 : index
    %get3A_241 = tpu.vector_load %arg5[%get3A_240] {strides = array<i32>} : memref<512xi32, #tpu.memory_space<vmem>>, vector<16xi32>,
    %get3A_242 = vector.shape_cast %get3A_241 : vector<16xi32> to vector<16xi32>
    %shift_right_logical3A_243 = arith.constant 17 : i32
    %shift_right_logical3A_244 = vector.broadcast %shift_right_logical3A_243 : i32 to vector<16xi32>
    %shift_right_logical3A_245 = arith.shrui %get3A_242, %shift_right_logical3A_244 : vector<16xi32>
    %shift_right_logical3A_246 = arith.constant 14 : i32
    %shift_right_logical3A_247 = vector.broadcast %shift_right_logical3A_246 : i32 to vector<16xi32>
    %shift_right_logical3A_248 = arith.shrui %get3A_242, %shift_right_logical3A_247 : vector<16xi32>
    %and3A_249 = arith.constant 7 : i32
    %and3A_250 = vector.broadcast %and3A_249 : i32 to vector<16xi32>
    %and3A_251 = arith.andi %shift_right_logical3A_248, %and3A_250 : vector<16xi32>
    %shift_left3A_252 = arith.constant 17 : i32
    %shift_left3A_253 = vector.broadcast %shift_left3A_252 : i32 to vector<16xi32>
    %shift_left3A_254 = arith.shli %shift_right_logical3A_245, %shift_left3A_253 : vector<16xi32>
    %and3A_255 = arith.constant 16383 : i32
    %and3A_256 = vector.broadcast %and3A_255 : i32 to vector<16xi32>
    %and3A_257 = arith.andi %get3A_242, %and3A_256 : vector<16xi32>
    %shift_left3A_258 = arith.constant 3 : i32
    %shift_left3A_259 = vector.broadcast %shift_left3A_258 : i32 to vector<16xi32>
    %shift_left3A_260 = arith.shli %and3A_257, %shift_left3A_259 : vector<16xi32>
    %or3A_261 = arith.ori %shift_left3A_254, %shift_left3A_260 : vector<16xi32>
    %or3A_262 = arith.ori %or3A_261, %and3A_251 : vector<16xi32>
    %swap3A_263 = arith.constant 144 : index
    %swap3A_264 = tpu.vector_load %arg6[%swap3A_263] {strides = array<i32>} : memref<512xi32, #tpu.memory_space<vmem>>, vector<16xi32>,
    %swap3A_265 = vector.shape_cast %swap3A_264 : vector<16xi32> to vector<16xi32>
    %swap3A_266 = vector.shape_cast %or3A_262 : vector<16xi32> to vector<16xi32>
    tpu.vector_store %arg6[%swap3A_263], %swap3A_266 {strides = array<i32>} : memref<512xi32, #tpu.memory_space<vmem>>, vector<16xi32>,
    %get3A_267 = arith.constant 160 : index
    %get3A_268 = tpu.vector_load %arg5[%get3A_267] {strides = array<i32>} : memref<512xi32, #tpu.memory_space<vmem>>, vector<16xi32>,
    %get3A_269 = vector.shape_cast %get3A_268 : vector<16xi32> to vector<16xi32>
    %shift_right_logical3A_270 = arith.constant 17 : i32
    %shift_right_logical3A_271 = vector.broadcast %shift_right_logical3A_270 : i32 to vector<16xi32>
    %shift_right_logical3A_272 = arith.shrui %get3A_269, %shift_right_logical3A_271 : vector<16xi32>
    %shift_right_logical3A_273 = arith.constant 14 : i32
    %shift_right_logical3A_274 = vector.broadcast %shift_right_logical3A_273 : i32 to vector<16xi32>
    %shift_right_logical3A_275 = arith.shrui %get3A_269, %shift_right_logical3A_274 : vector<16xi32>
    %and3A_276 = arith.constant 7 : i32
    %and3A_277 = vector.broadcast %and3A_276 : i32 to vector<16xi32>
    %and3A_278 = arith.andi %shift_right_logical3A_275, %and3A_277 : vector<16xi32>
    %shift_left3A_279 = arith.constant 17 : i32
    %shift_left3A_280 = vector.broadcast %shift_left3A_279 : i32 to vector<16xi32>
    %shift_left3A_281 = arith.shli %shift_right_logical3A_272, %shift_left3A_280 : vector<16xi32>
    %and3A_282 = arith.constant 16383 : i32
    %and3A_283 = vector.broadcast %and3A_282 : i32 to vector<16xi32>
    %and3A_284 = arith.andi %get3A_269, %and3A_283 : vector<16xi32>
    %shift_left3A_285 = arith.constant 3 : i32
    %shift_left3A_286 = vector.broadcast %shift_left3A_285 : i32 to vector<16xi32>
    %shift_left3A_287 = arith.shli %and3A_284, %shift_left3A_286 : vector<16xi32>
    %or3A_288 = arith.ori %shift_left3A_281, %shift_left3A_287 : vector<16xi32>
    %or3A_289 = arith.ori %or3A_288, %and3A_278 : vector<16xi32>
    %swap3A_290 = arith.constant 160 : index
    %swap3A_291 = tpu.vector_load %arg6[%swap3A_290] {strides = array<i32>} : memref<512xi32, #tpu.memory_space<vmem>>, vector<16xi32>,
    %swap3A_292 = vector.shape_cast %swap3A_291 : vector<16xi32> to vector<16xi32>
    %swap3A_293 = vector.shape_cast %or3A_289 : vector<16xi32> to vector<16xi32>
    tpu.vector_store %arg6[%swap3A_290], %swap3A_293 {strides = array<i32>} : memref<512xi32, #tpu.memory_space<vmem>>, vector<16xi32>,
    %get3A_294 = arith.constant 176 : index
    %get3A_295 = tpu.vector_load %arg5[%get3A_294] {strides = array<i32>} : memref<512xi32, #tpu.memory_space<vmem>>, vector<16xi32>,
    %get3A_296 = vector.shape_cast %get3A_295 : vector<16xi32> to vector<16xi32>
    %shift_right_logical3A_297 = arith.constant 17 : i32
    %shift_right_logical3A_298 = vector.broadcast %shift_right_logical3A_297 : i32 to vector<16xi32>
    %shift_right_logical3A_299 = arith.shrui %get3A_296, %shift_right_logical3A_298 : vector<16xi32>
    %shift_right_logical3A_300 = arith.constant 14 : i32
    %shift_right_logical3A_301 = vector.broadcast %shift_right_logical3A_300 : i32 to vector<16xi32>
    %shift_right_logical3A_302 = arith.shrui %get3A_296, %shift_right_logical3A_301 : vector<16xi32>
    %and3A_303 = arith.constant 7 : i32
    %and3A_304 = vector.broadcast %and3A_303 : i32 to vector<16xi32>
    %and3A_305 = arith.andi %shift_right_logical3A_302, %and3A_304 : vector<16xi32>
    %shift_left3A_306 = arith.constant 17 : i32
    %shift_left3A_307 = vector.broadcast %shift_left3A_306 : i32 to vector<16xi32>
    %shift_left3A_308 = arith.shli %shift_right_logical3A_299, %shift_left3A_307 : vector<16xi32>
    %and3A_309 = arith.constant 16383 : i32
    %and3A_310 = vector.broadcast %and3A_309 : i32 to vector<16xi32>
    %and3A_311 = arith.andi %get3A_296, %and3A_310 : vector<16xi32>
    %shift_left3A_312 = arith.constant 3 : i32
    %shift_left3A_313 = vector.broadcast %shift_left3A_312 : i32 to vector<16xi32>
    %shift_left3A_314 = arith.shli %and3A_311, %shift_left3A_313 : vector<16xi32>
    %or3A_315 = arith.ori %shift_left3A_308, %shift_left3A_314 : vector<16xi32>
    %or3A_316 = arith.ori %or3A_315, %and3A_305 : vector<16xi32>
    %swap3A_317 = arith.constant 176 : index
    %swap3A_318 = tpu.vector_load %arg6[%swap3A_317] {strides = array<i32>} : memref<512xi32, #tpu.memory_space<vmem>>, vector<16xi32>,
    %swap3A_319 = vector.shape_cast %swap3A_318 : vector<16xi32> to vector<16xi32>
    %swap3A_320 = vector.shape_cast %or3A_316 : vector<16xi32> to vector<16xi32>
    tpu.vector_store %arg6[%swap3A_317], %swap3A_320 {strides = array<i32>} : memref<512xi32, #tpu.memory_space<vmem>>, vector<16xi32>,
    %get3A_321 = arith.constant 192 : index
    %get3A_322 = tpu.vector_load %arg5[%get3A_321] {strides = array<i32>} : memref<512xi32, #tpu.memory_space<vmem>>, vector<16xi32>,
    %get3A_323 = vector.shape_cast %get3A_322 : vector<16xi32> to vector<16xi32>
    %shift_right_logical3A_324 = arith.constant 17 : i32
    %shift_right_logical3A_325 = vector.broadcast %shift_right_logical3A_324 : i32 to vector<16xi32>
    %shift_right_logical3A_326 = arith.shrui %get3A_323, %shift_right_logical3A_325 : vector<16xi32>
    %shift_right_logical3A_327 = arith.constant 14 : i32
    %shift_right_logical3A_328 = vector.broadcast %shift_right_logical3A_327 : i32 to vector<16xi32>
    %shift_right_logical3A_329 = arith.shrui %get3A_323, %shift_right_logical3A_328 : vector<16xi32>
    %and3A_330 = arith.constant 7 : i32
    %and3A_331 = vector.broadcast %and3A_330 : i32 to vector<16xi32>
    %and3A_332 = arith.andi %shift_right_logical3A_329, %and3A_331 : vector<16xi32>
    %shift_left3A_333 = arith.constant 17 : i32
    %shift_left3A_334 = vector.broadcast %shift_left3A_333 : i32 to vector<16xi32>
    %shift_left3A_335 = arith.shli %shift_right_logical3A_326, %shift_left3A_334 : vector<16xi32>
    %and3A_336 = arith.constant 16383 : i32
    %and3A_337 = vector.broadcast %and3A_336 : i32 to vector<16xi32>
    %and3A_338 = arith.andi %get3A_323, %and3A_337 : vector<16xi32>
    %shift_left3A_339 = arith.constant 3 : i32
    %shift_left3A_340 = vector.broadcast %shift_left3A_339 : i32 to vector<16xi32>
    %shift_left3A_341 = arith.shli %and3A_338, %shift_left3A_340 : vector<16xi32>
    %or3A_342 = arith.ori %shift_left3A_335, %shift_left3A_341 : vector<16xi32>
    %or3A_343 = arith.ori %or3A_342, %and3A_332 : vector<16xi32>
    %swap3A_344 = arith.constant 192 : index
    %swap3A_345 = tpu.vector_load %arg6[%swap3A_344] {strides = array<i32>} : memref<512xi32, #tpu.memory_space<vmem>>, vector<16xi32>,
    %swap3A_346 = vector.shape_cast %swap3A_345 : vector<16xi32> to vector<16xi32>
    %swap3A_347 = vector.shape_cast %or3A_343 : vector<16xi32> to vector<16xi32>
    tpu.vector_store %arg6[%swap3A_344], %swap3A_347 {strides = array<i32>} : memref<512xi32, #tpu.memory_space<vmem>>, vector<16xi32>,
    %get3A_348 = arith.constant 208 : index
    %get3A_349 = tpu.vector_load %arg5[%get3A_348] {strides = array<i32>} : memref<512xi32, #tpu.memory_space<vmem>>, vector<16xi32>,
    %get3A_350 = vector.shape_cast %get3A_349 : vector<16xi32> to vector<16xi32>
    %shift_right_logical3A_351 = arith.constant 17 : i32
    %shift_right_logical3A_352 = vector.broadcast %shift_right_logical3A_351 : i32 to vector<16xi32>
    %shift_right_logical3A_353 = arith.shrui %get3A_350, %shift_right_logical3A_352 : vector<16xi32>
    %shift_right_logical3A_354 = arith.constant 14 : i32
    %shift_right_logical3A_355 = vector.broadcast %shift_right_logical3A_354 : i32 to vector<16xi32>
    %shift_right_logical3A_356 = arith.shrui %get3A_350, %shift_right_logical3A_355 : vector<16xi32>
    %and3A_357 = arith.constant 7 : i32
    %and3A_358 = vector.broadcast %and3A_357 : i32 to vector<16xi32>
    %and3A_359 = arith.andi %shift_right_logical3A_356, %and3A_358 : vector<16xi32>
    %shift_left3A_360 = arith.constant 17 : i32
    %shift_left3A_361 = vector.broadcast %shift_left3A_360 : i32 to vector<16xi32>
    %shift_left3A_362 = arith.shli %shift_right_logical3A_353, %shift_left3A_361 : vector<16xi32>
    %and3A_363 = arith.constant 16383 : i32
    %and3A_364 = vector.broadcast %and3A_363 : i32 to vector<16xi32>
    %and3A_365 = arith.andi %get3A_350, %and3A_364 : vector<16xi32>
    %shift_left3A_366 = arith.constant 3 : i32
    %shift_left3A_367 = vector.broadcast %shift_left3A_366 : i32 to vector<16xi32>
    %shift_left3A_368 = arith.shli %and3A_365, %shift_left3A_367 : vector<16xi32>
    %or3A_369 = arith.ori %shift_left3A_362, %shift_left3A_368 : vector<16xi32>
    %or3A_370 = arith.ori %or3A_369, %and3A_359 : vector<16xi32>
    %swap3A_371 = arith.constant 208 : index
    %swap3A_372 = tpu.vector_load %arg6[%swap3A_371] {strides = array<i32>} : memref<512xi32, #tpu.memory_space<vmem>>, vector<16xi32>,
    %swap3A_373 = vector.shape_cast %swap3A_372 : vector<16xi32> to vector<16xi32>
    %swap3A_374 = vector.shape_cast %or3A_370 : vector<16xi32> to vector<16xi32>
    tpu.vector_store %arg6[%swap3A_371], %swap3A_374 {strides = array<i32>} : memref<512xi32, #tpu.memory_space<vmem>>, vector<16xi32>,
    %get3A_375 = arith.constant 224 : index
    %get3A_376 = tpu.vector_load %arg5[%get3A_375] {strides = array<i32>} : memref<512xi32, #tpu.memory_space<vmem>>, vector<16xi32>,
    %get3A_377 = vector.shape_cast %get3A_376 : vector<16xi32> to vector<16xi32>
    %shift_right_logical3A_378 = arith.constant 17 : i32
    %shift_right_logical3A_379 = vector.broadcast %shift_right_logical3A_378 : i32 to vector<16xi32>
    %shift_right_logical3A_380 = arith.shrui %get3A_377, %shift_right_logical3A_379 : vector<16xi32>
    %shift_right_logical3A_381 = arith.constant 14 : i32
    %shift_right_logical3A_382 = vector.broadcast %shift_right_logical3A_381 : i32 to vector<16xi32>
    %shift_right_logical3A_383 = arith.shrui %get3A_377, %shift_right_logical3A_382 : vector<16xi32>
    %and3A_384 = arith.constant 7 : i32
    %and3A_385 = vector.broadcast %and3A_384 : i32 to vector<16xi32>
    %and3A_386 = arith.andi %shift_right_logical3A_383, %and3A_385 : vector<16xi32>
    %shift_left3A_387 = arith.constant 17 : i32
    %shift_left3A_388 = vector.broadcast %shift_left3A_387 : i32 to vector<16xi32>
    %shift_left3A_389 = arith.shli %shift_right_logical3A_380, %shift_left3A_388 : vector<16xi32>
    %and3A_390 = arith.constant 16383 : i32
    %and3A_391 = vector.broadcast %and3A_390 : i32 to vector<16xi32>
    %and3A_392 = arith.andi %get3A_377, %and3A_391 : vector<16xi32>
    %shift_left3A_393 = arith.constant 3 : i32
    %shift_left3A_394 = vector.broadcast %shift_left3A_393 : i32 to vector<16xi32>
    %shift_left3A_395 = arith.shli %and3A_392, %shift_left3A_394 : vector<16xi32>
    %or3A_396 = arith.ori %shift_left3A_389, %shift_left3A_395 : vector<16xi32>
    %or3A_397 = arith.ori %or3A_396, %and3A_386 : vector<16xi32>
    %swap3A_398 = arith.constant 224 : index
    %swap3A_399 = tpu.vector_load %arg6[%swap3A_398] {strides = array<i32>} : memref<512xi32, #tpu.memory_space<vmem>>, vector<16xi32>,
    %swap3A_400 = vector.shape_cast %swap3A_399 : vector<16xi32> to vector<16xi32>
    %swap3A_401 = vector.shape_cast %or3A_397 : vector<16xi32> to vector<16xi32>
    tpu.vector_store %arg6[%swap3A_398], %swap3A_401 {strides = array<i32>} : memref<512xi32, #tpu.memory_space<vmem>>, vector<16xi32>,
    %get3A_402 = arith.constant 240 : index
    %get3A_403 = tpu.vector_load %arg5[%get3A_402] {strides = array<i32>} : memref<512xi32, #tpu.memory_space<vmem>>, vector<16xi32>,
    %get3A_404 = vector.shape_cast %get3A_403 : vector<16xi32> to vector<16xi32>
    %shift_right_logical3A_405 = arith.constant 17 : i32
    %shift_right_logical3A_406 = vector.broadcast %shift_right_logical3A_405 : i32 to vector<16xi32>
    %shift_right_logical3A_407 = arith.shrui %get3A_404, %shift_right_logical3A_406 : vector<16xi32>
    %shift_right_logical3A_408 = arith.constant 14 : i32
    %shift_right_logical3A_409 = vector.broadcast %shift_right_logical3A_408 : i32 to vector<16xi32>
    %shift_right_logical3A_410 = arith.shrui %get3A_404, %shift_right_logical3A_409 : vector<16xi32>
    %and3A_411 = arith.constant 7 : i32
    %and3A_412 = vector.broadcast %and3A_411 : i32 to vector<16xi32>
    %and3A_413 = arith.andi %shift_right_logical3A_410, %and3A_412 : vector<16xi32>
    %shift_left3A_414 = arith.constant 17 : i32
    %shift_left3A_415 = vector.broadcast %shift_left3A_414 : i32 to vector<16xi32>
    %shift_left3A_416 = arith.shli %shift_right_logical3A_407, %shift_left3A_415 : vector<16xi32>
    %and3A_417 = arith.constant 16383 : i32
    %and3A_418 = vector.broadcast %and3A_417 : i32 to vector<16xi32>
    %and3A_419 = arith.andi %get3A_404, %and3A_418 : vector<16xi32>
    %shift_left3A_420 = arith.constant 3 : i32
    %shift_left3A_421 = vector.broadcast %shift_left3A_420 : i32 to vector<16xi32>
    %shift_left3A_422 = arith.shli %and3A_419, %shift_left3A_421 : vector<16xi32>
    %or3A_423 = arith.ori %shift_left3A_416, %shift_left3A_422 : vector<16xi32>
    %or3A_424 = arith.ori %or3A_423, %and3A_413 : vector<16xi32>
    %swap3A_425 = arith.constant 240 : index
    %swap3A_426 = tpu.vector_load %arg6[%swap3A_425] {strides = array<i32>} : memref<512xi32, #tpu.memory_space<vmem>>, vector<16xi32>,
    %swap3A_427 = vector.shape_cast %swap3A_426 : vector<16xi32> to vector<16xi32>
    %swap3A_428 = vector.shape_cast %or3A_424 : vector<16xi32> to vector<16xi32>
    tpu.vector_store %arg6[%swap3A_425], %swap3A_428 {strides = array<i32>} : memref<512xi32, #tpu.memory_space<vmem>>, vector<16xi32>,
    %get3A_429 = arith.constant 256 : index
    %get3A_430 = tpu.vector_load %arg5[%get3A_429] {strides = array<i32>} : memref<512xi32, #tpu.memory_space<vmem>>, vector<16xi32>,
    %get3A_431 = vector.shape_cast %get3A_430 : vector<16xi32> to vector<16xi32>
    %shift_right_logical3A_432 = arith.constant 17 : i32
    %shift_right_logical3A_433 = vector.broadcast %shift_right_logical3A_432 : i32 to vector<16xi32>
    %shift_right_logical3A_434 = arith.shrui %get3A_431, %shift_right_logical3A_433 : vector<16xi32>
    %shift_right_logical3A_435 = arith.constant 14 : i32
    %shift_right_logical3A_436 = vector.broadcast %shift_right_logical3A_435 : i32 to vector<16xi32>
    %shift_right_logical3A_437 = arith.shrui %get3A_431, %shift_right_logical3A_436 : vector<16xi32>
    %and3A_438 = arith.constant 7 : i32
    %and3A_439 = vector.broadcast %and3A_438 : i32 to vector<16xi32>
    %and3A_440 = arith.andi %shift_right_logical3A_437, %and3A_439 : vector<16xi32>
    %shift_left3A_441 = arith.constant 17 : i32
    %shift_left3A_442 = vector.broadcast %shift_left3A_441 : i32 to vector<16xi32>
    %shift_left3A_443 = arith.shli %shift_right_logical3A_434, %shift_left3A_442 : vector<16xi32>
    %and3A_444 = arith.constant 16383 : i32
    %and3A_445 = vector.broadcast %and3A_444 : i32 to vector<16xi32>
    %and3A_446 = arith.andi %get3A_431, %and3A_445 : vector<16xi32>
    %shift_left3A_447 = arith.constant 3 : i32
    %shift_left3A_448 = vector.broadcast %shift_left3A_447 : i32 to vector<16xi32>
    %shift_left3A_449 = arith.shli %and3A_446, %shift_left3A_448 : vector<16xi32>
    %or3A_450 = arith.ori %shift_left3A_443, %shift_left3A_449 : vector<16xi32>
    %or3A_451 = arith.ori %or3A_450, %and3A_440 : vector<16xi32>
    %swap3A_452 = arith.constant 256 : index
    %swap3A_453 = tpu.vector_load %arg6[%swap3A_452] {strides = array<i32>} : memref<512xi32, #tpu.memory_space<vmem>>, vector<16xi32>,
    %swap3A_454 = vector.shape_cast %swap3A_453 : vector<16xi32> to vector<16xi32>
    %swap3A_455 = vector.shape_cast %or3A_451 : vector<16xi32> to vector<16xi32>
    tpu.vector_store %arg6[%swap3A_452], %swap3A_455 {strides = array<i32>} : memref<512xi32, #tpu.memory_space<vmem>>, vector<16xi32>,
    %get3A_456 = arith.constant 272 : index
    %get3A_457 = tpu.vector_load %arg5[%get3A_456] {strides = array<i32>} : memref<512xi32, #tpu.memory_space<vmem>>, vector<16xi32>,
    %get3A_458 = vector.shape_cast %get3A_457 : vector<16xi32> to vector<16xi32>
    %shift_right_logical3A_459 = arith.constant 17 : i32
    %shift_right_logical3A_460 = vector.broadcast %shift_right_logical3A_459 : i32 to vector<16xi32>
    %shift_right_logical3A_461 = arith.shrui %get3A_458, %shift_right_logical3A_460 : vector<16xi32>
    %shift_right_logical3A_462 = arith.constant 14 : i32
    %shift_right_logical3A_463 = vector.broadcast %shift_right_logical3A_462 : i32 to vector<16xi32>
    %shift_right_logical3A_464 = arith.shrui %get3A_458, %shift_right_logical3A_463 : vector<16xi32>
    %and3A_465 = arith.constant 7 : i32
    %and3A_466 = vector.broadcast %and3A_465 : i32 to vector<16xi32>
    %and3A_467 = arith.andi %shift_right_logical3A_464, %and3A_466 : vector<16xi32>
    %shift_left3A_468 = arith.constant 17 : i32
    %shift_left3A_469 = vector.broadcast %shift_left3A_468 : i32 to vector<16xi32>
    %shift_left3A_470 = arith.shli %shift_right_logical3A_461, %shift_left3A_469 : vector<16xi32>
    %and3A_471 = arith.constant 16383 : i32
    %and3A_472 = vector.broadcast %and3A_471 : i32 to vector<16xi32>
    %and3A_473 = arith.andi %get3A_458, %and3A_472 : vector<16xi32>
    %shift_left3A_474 = arith.constant 3 : i32
    %shift_left3A_475 = vector.broadcast %shift_left3A_474 : i32 to vector<16xi32>
    %shift_left3A_476 = arith.shli %and3A_473, %shift_left3A_475 : vector<16xi32>
    %or3A_477 = arith.ori %shift_left3A_470, %shift_left3A_476 : vector<16xi32>
    %or3A_478 = arith.ori %or3A_477, %and3A_467 : vector<16xi32>
    %swap3A_479 = arith.constant 272 : index
    %swap3A_480 = tpu.vector_load %arg6[%swap3A_479] {strides = array<i32>} : memref<512xi32, #tpu.memory_space<vmem>>, vector<16xi32>,
    %swap3A_481 = vector.shape_cast %swap3A_480 : vector<16xi32> to vector<16xi32>
    %swap3A_482 = vector.shape_cast %or3A_478 : vector<16xi32> to vector<16xi32>
    tpu.vector_store %arg6[%swap3A_479], %swap3A_482 {strides = array<i32>} : memref<512xi32, #tpu.memory_space<vmem>>, vector<16xi32>,
    %get3A_483 = arith.constant 288 : index
    %get3A_484 = tpu.vector_load %arg5[%get3A_483] {strides = array<i32>} : memref<512xi32, #tpu.memory_space<vmem>>, vector<16xi32>,
    %get3A_485 = vector.shape_cast %get3A_484 : vector<16xi32> to vector<16xi32>
    %shift_right_logical3A_486 = arith.constant 17 : i32
    %shift_right_logical3A_487 = vector.broadcast %shift_right_logical3A_486 : i32 to vector<16xi32>
    %shift_right_logical3A_488 = arith.shrui %get3A_485, %shift_right_logical3A_487 : vector<16xi32>
    %shift_right_logical3A_489 = arith.constant 14 : i32
    %shift_right_logical3A_490 = vector.broadcast %shift_right_logical3A_489 : i32 to vector<16xi32>
    %shift_right_logical3A_491 = arith.shrui %get3A_485, %shift_right_logical3A_490 : vector<16xi32>
    %and3A_492 = arith.constant 7 : i32
    %and3A_493 = vector.broadcast %and3A_492 : i32 to vector<16xi32>
    %and3A_494 = arith.andi %shift_right_logical3A_491, %and3A_493 : vector<16xi32>
    %shift_left3A_495 = arith.constant 17 : i32
    %shift_left3A_496 = vector.broadcast %shift_left3A_495 : i32 to vector<16xi32>
    %shift_left3A_497 = arith.shli %shift_right_logical3A_488, %shift_left3A_496 : vector<16xi32>
    %and3A_498 = arith.constant 16383 : i32
    %and3A_499 = vector.broadcast %and3A_498 : i32 to vector<16xi32>
    %and3A_500 = arith.andi %get3A_485, %and3A_499 : vector<16xi32>
    %shift_left3A_501 = arith.constant 3 : i32
    %shift_left3A_502 = vector.broadcast %shift_left3A_501 : i32 to vector<16xi32>
    %shift_left3A_503 = arith.shli %and3A_500, %shift_left3A_502 : vector<16xi32>
    %or3A_504 = arith.ori %shift_left3A_497, %shift_left3A_503 : vector<16xi32>
    %or3A_505 = arith.ori %or3A_504, %and3A_494 : vector<16xi32>
    %swap3A_506 = arith.constant 288 : index
    %swap3A_507 = tpu.vector_load %arg6[%swap3A_506] {strides = array<i32>} : memref<512xi32, #tpu.memory_space<vmem>>, vector<16xi32>,
    %swap3A_508 = vector.shape_cast %swap3A_507 : vector<16xi32> to vector<16xi32>
    %swap3A_509 = vector.shape_cast %or3A_505 : vector<16xi32> to vector<16xi32>
    tpu.vector_store %arg6[%swap3A_506], %swap3A_509 {strides = array<i32>} : memref<512xi32, #tpu.memory_space<vmem>>, vector<16xi32>,
    %get3A_510 = arith.constant 304 : index
    %get3A_511 = tpu.vector_load %arg5[%get3A_510] {strides = array<i32>} : memref<512xi32, #tpu.memory_space<vmem>>, vector<16xi32>,
    %get3A_512 = vector.shape_cast %get3A_511 : vector<16xi32> to vector<16xi32>
    %shift_right_logical3A_513 = arith.constant 17 : i32
    %shift_right_logical3A_514 = vector.broadcast %shift_right_logical3A_513 : i32 to vector<16xi32>
    %shift_right_logical3A_515 = arith.shrui %get3A_512, %shift_right_logical3A_514 : vector<16xi32>
    %shift_right_logical3A_516 = arith.constant 14 : i32
    %shift_right_logical3A_517 = vector.broadcast %shift_right_logical3A_516 : i32 to vector<16xi32>
    %shift_right_logical3A_518 = arith.shrui %get3A_512, %shift_right_logical3A_517 : vector<16xi32>
    %and3A_519 = arith.constant 7 : i32
    %and3A_520 = vector.broadcast %and3A_519 : i32 to vector<16xi32>
    %and3A_521 = arith.andi %shift_right_logical3A_518, %and3A_520 : vector<16xi32>
    %shift_left3A_522 = arith.constant 17 : i32
    %shift_left3A_523 = vector.broadcast %shift_left3A_522 : i32 to vector<16xi32>
    %shift_left3A_524 = arith.shli %shift_right_logical3A_515, %shift_left3A_523 : vector<16xi32>
    %and3A_525 = arith.constant 16383 : i32
    %and3A_526 = vector.broadcast %and3A_525 : i32 to vector<16xi32>
    %and3A_527 = arith.andi %get3A_512, %and3A_526 : vector<16xi32>
    %shift_left3A_528 = arith.constant 3 : i32
    %shift_left3A_529 = vector.broadcast %shift_left3A_528 : i32 to vector<16xi32>
    %shift_left3A_530 = arith.shli %and3A_527, %shift_left3A_529 : vector<16xi32>
    %or3A_531 = arith.ori %shift_left3A_524, %shift_left3A_530 : vector<16xi32>
    %or3A_532 = arith.ori %or3A_531, %and3A_521 : vector<16xi32>
    %swap3A_533 = arith.constant 304 : index
    %swap3A_534 = tpu.vector_load %arg6[%swap3A_533] {strides = array<i32>} : memref<512xi32, #tpu.memory_space<vmem>>, vector<16xi32>,
    %swap3A_535 = vector.shape_cast %swap3A_534 : vector<16xi32> to vector<16xi32>
    %swap3A_536 = vector.shape_cast %or3A_532 : vector<16xi32> to vector<16xi32>
    tpu.vector_store %arg6[%swap3A_533], %swap3A_536 {strides = array<i32>} : memref<512xi32, #tpu.memory_space<vmem>>, vector<16xi32>,
    %get3A_537 = arith.constant 320 : index
    %get3A_538 = tpu.vector_load %arg5[%get3A_537] {strides = array<i32>} : memref<512xi32, #tpu.memory_space<vmem>>, vector<16xi32>,
    %get3A_539 = vector.shape_cast %get3A_538 : vector<16xi32> to vector<16xi32>
    %shift_right_logical3A_540 = arith.constant 17 : i32
    %shift_right_logical3A_541 = vector.broadcast %shift_right_logical3A_540 : i32 to vector<16xi32>
    %shift_right_logical3A_542 = arith.shrui %get3A_539, %shift_right_logical3A_541 : vector<16xi32>
    %shift_right_logical3A_543 = arith.constant 14 : i32
    %shift_right_logical3A_544 = vector.broadcast %shift_right_logical3A_543 : i32 to vector<16xi32>
    %shift_right_logical3A_545 = arith.shrui %get3A_539, %shift_right_logical3A_544 : vector<16xi32>
    %and3A_546 = arith.constant 7 : i32
    %and3A_547 = vector.broadcast %and3A_546 : i32 to vector<16xi32>
    %and3A_548 = arith.andi %shift_right_logical3A_545, %and3A_547 : vector<16xi32>
    %shift_left3A_549 = arith.constant 17 : i32
    %shift_left3A_550 = vector.broadcast %shift_left3A_549 : i32 to vector<16xi32>
    %shift_left3A_551 = arith.shli %shift_right_logical3A_542, %shift_left3A_550 : vector<16xi32>
    %and3A_552 = arith.constant 16383 : i32
    %and3A_553 = vector.broadcast %and3A_552 : i32 to vector<16xi32>
    %and3A_554 = arith.andi %get3A_539, %and3A_553 : vector<16xi32>
    %shift_left3A_555 = arith.constant 3 : i32
    %shift_left3A_556 = vector.broadcast %shift_left3A_555 : i32 to vector<16xi32>
    %shift_left3A_557 = arith.shli %and3A_554, %shift_left3A_556 : vector<16xi32>
    %or3A_558 = arith.ori %shift_left3A_551, %shift_left3A_557 : vector<16xi32>
    %or3A_559 = arith.ori %or3A_558, %and3A_548 : vector<16xi32>
    %swap3A_560 = arith.constant 320 : index
    %swap3A_561 = tpu.vector_load %arg6[%swap3A_560] {strides = array<i32>} : memref<512xi32, #tpu.memory_space<vmem>>, vector<16xi32>,
    %swap3A_562 = vector.shape_cast %swap3A_561 : vector<16xi32> to vector<16xi32>
    %swap3A_563 = vector.shape_cast %or3A_559 : vector<16xi32> to vector<16xi32>
    tpu.vector_store %arg6[%swap3A_560], %swap3A_563 {strides = array<i32>} : memref<512xi32, #tpu.memory_space<vmem>>, vector<16xi32>,
    %get3A_564 = arith.constant 336 : index
    %get3A_565 = tpu.vector_load %arg5[%get3A_564] {strides = array<i32>} : memref<512xi32, #tpu.memory_space<vmem>>, vector<16xi32>,
    %get3A_566 = vector.shape_cast %get3A_565 : vector<16xi32> to vector<16xi32>
    %shift_right_logical3A_567 = arith.constant 17 : i32
    %shift_right_logical3A_568 = vector.broadcast %shift_right_logical3A_567 : i32 to vector<16xi32>
    %shift_right_logical3A_569 = arith.shrui %get3A_566, %shift_right_logical3A_568 : vector<16xi32>
    %shift_right_logical3A_570 = arith.constant 14 : i32
    %shift_right_logical3A_571 = vector.broadcast %shift_right_logical3A_570 : i32 to vector<16xi32>
    %shift_right_logical3A_572 = arith.shrui %get3A_566, %shift_right_logical3A_571 : vector<16xi32>
    %and3A_573 = arith.constant 7 : i32
    %and3A_574 = vector.broadcast %and3A_573 : i32 to vector<16xi32>
    %and3A_575 = arith.andi %shift_right_logical3A_572, %and3A_574 : vector<16xi32>
    %shift_left3A_576 = arith.constant 17 : i32
    %shift_left3A_577 = vector.broadcast %shift_left3A_576 : i32 to vector<16xi32>
    %shift_left3A_578 = arith.shli %shift_right_logical3A_569, %shift_left3A_577 : vector<16xi32>
    %and3A_579 = arith.constant 16383 : i32
    %and3A_580 = vector.broadcast %and3A_579 : i32 to vector<16xi32>
    %and3A_581 = arith.andi %get3A_566, %and3A_580 : vector<16xi32>
    %shift_left3A_582 = arith.constant 3 : i32
    %shift_left3A_583 = vector.broadcast %shift_left3A_582 : i32 to vector<16xi32>
    %shift_left3A_584 = arith.shli %and3A_581, %shift_left3A_583 : vector<16xi32>
    %or3A_585 = arith.ori %shift_left3A_578, %shift_left3A_584 : vector<16xi32>
    %or3A_586 = arith.ori %or3A_585, %and3A_575 : vector<16xi32>
    %swap3A_587 = arith.constant 336 : index
    %swap3A_588 = tpu.vector_load %arg6[%swap3A_587] {strides = array<i32>} : memref<512xi32, #tpu.memory_space<vmem>>, vector<16xi32>,
    %swap3A_589 = vector.shape_cast %swap3A_588 : vector<16xi32> to vector<16xi32>
    %swap3A_590 = vector.shape_cast %or3A_586 : vector<16xi32> to vector<16xi32>
    tpu.vector_store %arg6[%swap3A_587], %swap3A_590 {strides = array<i32>} : memref<512xi32, #tpu.memory_space<vmem>>, vector<16xi32>,
    %get3A_591 = arith.constant 352 : index
    %get3A_592 = tpu.vector_load %arg5[%get3A_591] {strides = array<i32>} : memref<512xi32, #tpu.memory_space<vmem>>, vector<16xi32>,
    %get3A_593 = vector.shape_cast %get3A_592 : vector<16xi32> to vector<16xi32>
    %shift_right_logical3A_594 = arith.constant 17 : i32
    %shift_right_logical3A_595 = vector.broadcast %shift_right_logical3A_594 : i32 to vector<16xi32>
    %shift_right_logical3A_596 = arith.shrui %get3A_593, %shift_right_logical3A_595 : vector<16xi32>
    %shift_right_logical3A_597 = arith.constant 14 : i32
    %shift_right_logical3A_598 = vector.broadcast %shift_right_logical3A_597 : i32 to vector<16xi32>
    %shift_right_logical3A_599 = arith.shrui %get3A_593, %shift_right_logical3A_598 : vector<16xi32>
    %and3A_600 = arith.constant 7 : i32
    %and3A_601 = vector.broadcast %and3A_600 : i32 to vector<16xi32>
    %and3A_602 = arith.andi %shift_right_logical3A_599, %and3A_601 : vector<16xi32>
    %shift_left3A_603 = arith.constant 17 : i32
    %shift_left3A_604 = vector.broadcast %shift_left3A_603 : i32 to vector<16xi32>
    %shift_left3A_605 = arith.shli %shift_right_logical3A_596, %shift_left3A_604 : vector<16xi32>
    %and3A_606 = arith.constant 16383 : i32
    %and3A_607 = vector.broadcast %and3A_606 : i32 to vector<16xi32>
    %and3A_608 = arith.andi %get3A_593, %and3A_607 : vector<16xi32>
    %shift_left3A_609 = arith.constant 3 : i32
    %shift_left3A_610 = vector.broadcast %shift_left3A_609 : i32 to vector<16xi32>
    %shift_left3A_611 = arith.shli %and3A_608, %shift_left3A_610 : vector<16xi32>
    %or3A_612 = arith.ori %shift_left3A_605, %shift_left3A_611 : vector<16xi32>
    %or3A_613 = arith.ori %or3A_612, %and3A_602 : vector<16xi32>
    %swap3A_614 = arith.constant 352 : index
    %swap3A_615 = tpu.vector_load %arg6[%swap3A_614] {strides = array<i32>} : memref<512xi32, #tpu.memory_space<vmem>>, vector<16xi32>,
    %swap3A_616 = vector.shape_cast %swap3A_615 : vector<16xi32> to vector<16xi32>
    %swap3A_617 = vector.shape_cast %or3A_613 : vector<16xi32> to vector<16xi32>
    tpu.vector_store %arg6[%swap3A_614], %swap3A_617 {strides = array<i32>} : memref<512xi32, #tpu.memory_space<vmem>>, vector<16xi32>,
    %get3A_618 = arith.constant 368 : index
    %get3A_619 = tpu.vector_load %arg5[%get3A_618] {strides = array<i32>} : memref<512xi32, #tpu.memory_space<vmem>>, vector<16xi32>,
    %get3A_620 = vector.shape_cast %get3A_619 : vector<16xi32> to vector<16xi32>
    %shift_right_logical3A_621 = arith.constant 17 : i32
    %shift_right_logical3A_622 = vector.broadcast %shift_right_logical3A_621 : i32 to vector<16xi32>
    %shift_right_logical3A_623 = arith.shrui %get3A_620, %shift_right_logical3A_622 : vector<16xi32>
    %shift_right_logical3A_624 = arith.constant 14 : i32
    %shift_right_logical3A_625 = vector.broadcast %shift_right_logical3A_624 : i32 to vector<16xi32>
    %shift_right_logical3A_626 = arith.shrui %get3A_620, %shift_right_logical3A_625 : vector<16xi32>
    %and3A_627 = arith.constant 7 : i32
    %and3A_628 = vector.broadcast %and3A_627 : i32 to vector<16xi32>
    %and3A_629 = arith.andi %shift_right_logical3A_626, %and3A_628 : vector<16xi32>
    %shift_left3A_630 = arith.constant 17 : i32
    %shift_left3A_631 = vector.broadcast %shift_left3A_630 : i32 to vector<16xi32>
    %shift_left3A_632 = arith.shli %shift_right_logical3A_623, %shift_left3A_631 : vector<16xi32>
    %and3A_633 = arith.constant 16383 : i32
    %and3A_634 = vector.broadcast %and3A_633 : i32 to vector<16xi32>
    %and3A_635 = arith.andi %get3A_620, %and3A_634 : vector<16xi32>
    %shift_left3A_636 = arith.constant 3 : i32
    %shift_left3A_637 = vector.broadcast %shift_left3A_636 : i32 to vector<16xi32>
    %shift_left3A_638 = arith.shli %and3A_635, %shift_left3A_637 : vector<16xi32>
    %or3A_639 = arith.ori %shift_left3A_632, %shift_left3A_638 : vector<16xi32>
    %or3A_640 = arith.ori %or3A_639, %and3A_629 : vector<16xi32>
    %swap3A_641 = arith.constant 368 : index
    %swap3A_642 = tpu.vector_load %arg6[%swap3A_641] {strides = array<i32>} : memref<512xi32, #tpu.memory_space<vmem>>, vector<16xi32>,
    %swap3A_643 = vector.shape_cast %swap3A_642 : vector<16xi32> to vector<16xi32>
    %swap3A_644 = vector.shape_cast %or3A_640 : vector<16xi32> to vector<16xi32>
    tpu.vector_store %arg6[%swap3A_641], %swap3A_644 {strides = array<i32>} : memref<512xi32, #tpu.memory_space<vmem>>, vector<16xi32>,
    %get3A_645 = arith.constant 384 : index
    %get3A_646 = tpu.vector_load %arg5[%get3A_645] {strides = array<i32>} : memref<512xi32, #tpu.memory_space<vmem>>, vector<16xi32>,
    %get3A_647 = vector.shape_cast %get3A_646 : vector<16xi32> to vector<16xi32>
    %shift_right_logical3A_648 = arith.constant 17 : i32
    %shift_right_logical3A_649 = vector.broadcast %shift_right_logical3A_648 : i32 to vector<16xi32>
    %shift_right_logical3A_650 = arith.shrui %get3A_647, %shift_right_logical3A_649 : vector<16xi32>
    %shift_right_logical3A_651 = arith.constant 14 : i32
    %shift_right_logical3A_652 = vector.broadcast %shift_right_logical3A_651 : i32 to vector<16xi32>
    %shift_right_logical3A_653 = arith.shrui %get3A_647, %shift_right_logical3A_652 : vector<16xi32>
    %and3A_654 = arith.constant 7 : i32
    %and3A_655 = vector.broadcast %and3A_654 : i32 to vector<16xi32>
    %and3A_656 = arith.andi %shift_right_logical3A_653, %and3A_655 : vector<16xi32>
    %shift_left3A_657 = arith.constant 17 : i32
    %shift_left3A_658 = vector.broadcast %shift_left3A_657 : i32 to vector<16xi32>
    %shift_left3A_659 = arith.shli %shift_right_logical3A_650, %shift_left3A_658 : vector<16xi32>
    %and3A_660 = arith.constant 16383 : i32
    %and3A_661 = vector.broadcast %and3A_660 : i32 to vector<16xi32>
    %and3A_662 = arith.andi %get3A_647, %and3A_661 : vector<16xi32>
    %shift_left3A_663 = arith.constant 3 : i32
    %shift_left3A_664 = vector.broadcast %shift_left3A_663 : i32 to vector<16xi32>
    %shift_left3A_665 = arith.shli %and3A_662, %shift_left3A_664 : vector<16xi32>
    %or3A_666 = arith.ori %shift_left3A_659, %shift_left3A_665 : vector<16xi32>
    %or3A_667 = arith.ori %or3A_666, %and3A_656 : vector<16xi32>
    %swap3A_668 = arith.constant 384 : index
    %swap3A_669 = tpu.vector_load %arg6[%swap3A_668] {strides = array<i32>} : memref<512xi32, #tpu.memory_space<vmem>>, vector<16xi32>,
    %swap3A_670 = vector.shape_cast %swap3A_669 : vector<16xi32> to vector<16xi32>
    %swap3A_671 = vector.shape_cast %or3A_667 : vector<16xi32> to vector<16xi32>
    tpu.vector_store %arg6[%swap3A_668], %swap3A_671 {strides = array<i32>} : memref<512xi32, #tpu.memory_space<vmem>>, vector<16xi32>,
    %get3A_672 = arith.constant 400 : index
    %get3A_673 = tpu.vector_load %arg5[%get3A_672] {strides = array<i32>} : memref<512xi32, #tpu.memory_space<vmem>>, vector<16xi32>,
    %get3A_674 = vector.shape_cast %get3A_673 : vector<16xi32> to vector<16xi32>
    %shift_right_logical3A_675 = arith.constant 17 : i32
    %shift_right_logical3A_676 = vector.broadcast %shift_right_logical3A_675 : i32 to vector<16xi32>
    %shift_right_logical3A_677 = arith.shrui %get3A_674, %shift_right_logical3A_676 : vector<16xi32>
    %shift_right_logical3A_678 = arith.constant 14 : i32
    %shift_right_logical3A_679 = vector.broadcast %shift_right_logical3A_678 : i32 to vector<16xi32>
    %shift_right_logical3A_680 = arith.shrui %get3A_674, %shift_right_logical3A_679 : vector<16xi32>
    %and3A_681 = arith.constant 7 : i32
    %and3A_682 = vector.broadcast %and3A_681 : i32 to vector<16xi32>
    %and3A_683 = arith.andi %shift_right_logical3A_680, %and3A_682 : vector<16xi32>
    %shift_left3A_684 = arith.constant 17 : i32
    %shift_left3A_685 = vector.broadcast %shift_left3A_684 : i32 to vector<16xi32>
    %shift_left3A_686 = arith.shli %shift_right_logical3A_677, %shift_left3A_685 : vector<16xi32>
    %and3A_687 = arith.constant 16383 : i32
    %and3A_688 = vector.broadcast %and3A_687 : i32 to vector<16xi32>
    %and3A_689 = arith.andi %get3A_674, %and3A_688 : vector<16xi32>
    %shift_left3A_690 = arith.constant 3 : i32
    %shift_left3A_691 = vector.broadcast %shift_left3A_690 : i32 to vector<16xi32>
    %shift_left3A_692 = arith.shli %and3A_689, %shift_left3A_691 : vector<16xi32>
    %or3A_693 = arith.ori %shift_left3A_686, %shift_left3A_692 : vector<16xi32>
    %or3A_694 = arith.ori %or3A_693, %and3A_683 : vector<16xi32>
    %swap3A_695 = arith.constant 400 : index
    %swap3A_696 = tpu.vector_load %arg6[%swap3A_695] {strides = array<i32>} : memref<512xi32, #tpu.memory_space<vmem>>, vector<16xi32>,
    %swap3A_697 = vector.shape_cast %swap3A_696 : vector<16xi32> to vector<16xi32>
    %swap3A_698 = vector.shape_cast %or3A_694 : vector<16xi32> to vector<16xi32>
    tpu.vector_store %arg6[%swap3A_695], %swap3A_698 {strides = array<i32>} : memref<512xi32, #tpu.memory_space<vmem>>, vector<16xi32>,
    %get3A_699 = arith.constant 416 : index
    %get3A_700 = tpu.vector_load %arg5[%get3A_699] {strides = array<i32>} : memref<512xi32, #tpu.memory_space<vmem>>, vector<16xi32>,
    %get3A_701 = vector.shape_cast %get3A_700 : vector<16xi32> to vector<16xi32>
    %shift_right_logical3A_702 = arith.constant 17 : i32
    %shift_right_logical3A_703 = vector.broadcast %shift_right_logical3A_702 : i32 to vector<16xi32>
    %shift_right_logical3A_704 = arith.shrui %get3A_701, %shift_right_logical3A_703 : vector<16xi32>
    %shift_right_logical3A_705 = arith.constant 14 : i32
    %shift_right_logical3A_706 = vector.broadcast %shift_right_logical3A_705 : i32 to vector<16xi32>
    %shift_right_logical3A_707 = arith.shrui %get3A_701, %shift_right_logical3A_706 : vector<16xi32>
    %and3A_708 = arith.constant 7 : i32
    %and3A_709 = vector.broadcast %and3A_708 : i32 to vector<16xi32>
    %and3A_710 = arith.andi %shift_right_logical3A_707, %and3A_709 : vector<16xi32>
    %shift_left3A_711 = arith.constant 17 : i32
    %shift_left3A_712 = vector.broadcast %shift_left3A_711 : i32 to vector<16xi32>
    %shift_left3A_713 = arith.shli %shift_right_logical3A_704, %shift_left3A_712 : vector<16xi32>
    %and3A_714 = arith.constant 16383 : i32
    %and3A_715 = vector.broadcast %and3A_714 : i32 to vector<16xi32>
    %and3A_716 = arith.andi %get3A_701, %and3A_715 : vector<16xi32>
    %shift_left3A_717 = arith.constant 3 : i32
    %shift_left3A_718 = vector.broadcast %shift_left3A_717 : i32 to vector<16xi32>
    %shift_left3A_719 = arith.shli %and3A_716, %shift_left3A_718 : vector<16xi32>
    %or3A_720 = arith.ori %shift_left3A_713, %shift_left3A_719 : vector<16xi32>
    %or3A_721 = arith.ori %or3A_720, %and3A_710 : vector<16xi32>
    %swap3A_722 = arith.constant 416 : index
    %swap3A_723 = tpu.vector_load %arg6[%swap3A_722] {strides = array<i32>} : memref<512xi32, #tpu.memory_space<vmem>>, vector<16xi32>,
    %swap3A_724 = vector.shape_cast %swap3A_723 : vector<16xi32> to vector<16xi32>
    %swap3A_725 = vector.shape_cast %or3A_721 : vector<16xi32> to vector<16xi32>
    tpu.vector_store %arg6[%swap3A_722], %swap3A_725 {strides = array<i32>} : memref<512xi32, #tpu.memory_space<vmem>>, vector<16xi32>,
    %get3A_726 = arith.constant 432 : index
    %get3A_727 = tpu.vector_load %arg5[%get3A_726] {strides = array<i32>} : memref<512xi32, #tpu.memory_space<vmem>>, vector<16xi32>,
    %get3A_728 = vector.shape_cast %get3A_727 : vector<16xi32> to vector<16xi32>
    %shift_right_logical3A_729 = arith.constant 17 : i32
    %shift_right_logical3A_730 = vector.broadcast %shift_right_logical3A_729 : i32 to vector<16xi32>
    %shift_right_logical3A_731 = arith.shrui %get3A_728, %shift_right_logical3A_730 : vector<16xi32>
    %shift_right_logical3A_732 = arith.constant 14 : i32
    %shift_right_logical3A_733 = vector.broadcast %shift_right_logical3A_732 : i32 to vector<16xi32>
    %shift_right_logical3A_734 = arith.shrui %get3A_728, %shift_right_logical3A_733 : vector<16xi32>
    %and3A_735 = arith.constant 7 : i32
    %and3A_736 = vector.broadcast %and3A_735 : i32 to vector<16xi32>
    %and3A_737 = arith.andi %shift_right_logical3A_734, %and3A_736 : vector<16xi32>
    %shift_left3A_738 = arith.constant 17 : i32
    %shift_left3A_739 = vector.broadcast %shift_left3A_738 : i32 to vector<16xi32>
    %shift_left3A_740 = arith.shli %shift_right_logical3A_731, %shift_left3A_739 : vector<16xi32>
    %and3A_741 = arith.constant 16383 : i32
    %and3A_742 = vector.broadcast %and3A_741 : i32 to vector<16xi32>
    %and3A_743 = arith.andi %get3A_728, %and3A_742 : vector<16xi32>
    %shift_left3A_744 = arith.constant 3 : i32
    %shift_left3A_745 = vector.broadcast %shift_left3A_744 : i32 to vector<16xi32>
    %shift_left3A_746 = arith.shli %and3A_743, %shift_left3A_745 : vector<16xi32>
    %or3A_747 = arith.ori %shift_left3A_740, %shift_left3A_746 : vector<16xi32>
    %or3A_748 = arith.ori %or3A_747, %and3A_737 : vector<16xi32>
    %swap3A_749 = arith.constant 432 : index
    %swap3A_750 = tpu.vector_load %arg6[%swap3A_749] {strides = array<i32>} : memref<512xi32, #tpu.memory_space<vmem>>, vector<16xi32>,
    %swap3A_751 = vector.shape_cast %swap3A_750 : vector<16xi32> to vector<16xi32>
    %swap3A_752 = vector.shape_cast %or3A_748 : vector<16xi32> to vector<16xi32>
    tpu.vector_store %arg6[%swap3A_749], %swap3A_752 {strides = array<i32>} : memref<512xi32, #tpu.memory_space<vmem>>, vector<16xi32>,
    %get3A_753 = arith.constant 448 : index
    %get3A_754 = tpu.vector_load %arg5[%get3A_753] {strides = array<i32>} : memref<512xi32, #tpu.memory_space<vmem>>, vector<16xi32>,
    %get3A_755 = vector.shape_cast %get3A_754 : vector<16xi32> to vector<16xi32>
    %shift_right_logical3A_756 = arith.constant 17 : i32
    %shift_right_logical3A_757 = vector.broadcast %shift_right_logical3A_756 : i32 to vector<16xi32>
    %shift_right_logical3A_758 = arith.shrui %get3A_755, %shift_right_logical3A_757 : vector<16xi32>
    %shift_right_logical3A_759 = arith.constant 14 : i32
    %shift_right_logical3A_760 = vector.broadcast %shift_right_logical3A_759 : i32 to vector<16xi32>
    %shift_right_logical3A_761 = arith.shrui %get3A_755, %shift_right_logical3A_760 : vector<16xi32>
    %and3A_762 = arith.constant 7 : i32
    %and3A_763 = vector.broadcast %and3A_762 : i32 to vector<16xi32>
    %and3A_764 = arith.andi %shift_right_logical3A_761, %and3A_763 : vector<16xi32>
    %shift_left3A_765 = arith.constant 17 : i32
    %shift_left3A_766 = vector.broadcast %shift_left3A_765 : i32 to vector<16xi32>
    %shift_left3A_767 = arith.shli %shift_right_logical3A_758, %shift_left3A_766 : vector<16xi32>
    %and3A_768 = arith.constant 16383 : i32
    %and3A_769 = vector.broadcast %and3A_768 : i32 to vector<16xi32>
    %and3A_770 = arith.andi %get3A_755, %and3A_769 : vector<16xi32>
    %shift_left3A_771 = arith.constant 3 : i32
    %shift_left3A_772 = vector.broadcast %shift_left3A_771 : i32 to vector<16xi32>
    %shift_left3A_773 = arith.shli %and3A_770, %shift_left3A_772 : vector<16xi32>
    %or3A_774 = arith.ori %shift_left3A_767, %shift_left3A_773 : vector<16xi32>
    %or3A_775 = arith.ori %or3A_774, %and3A_764 : vector<16xi32>
    %swap3A_776 = arith.constant 448 : index
    %swap3A_777 = tpu.vector_load %arg6[%swap3A_776] {strides = array<i32>} : memref<512xi32, #tpu.memory_space<vmem>>, vector<16xi32>,
    %swap3A_778 = vector.shape_cast %swap3A_777 : vector<16xi32> to vector<16xi32>
    %swap3A_779 = vector.shape_cast %or3A_775 : vector<16xi32> to vector<16xi32>
    tpu.vector_store %arg6[%swap3A_776], %swap3A_779 {strides = array<i32>} : memref<512xi32, #tpu.memory_space<vmem>>, vector<16xi32>,
    %get3A_780 = arith.constant 464 : index
    %get3A_781 = tpu.vector_load %arg5[%get3A_780] {strides = array<i32>} : memref<512xi32, #tpu.memory_space<vmem>>, vector<16xi32>,
    %get3A_782 = vector.shape_cast %get3A_781 : vector<16xi32> to vector<16xi32>
    %shift_right_logical3A_783 = arith.constant 17 : i32
    %shift_right_logical3A_784 = vector.broadcast %shift_right_logical3A_783 : i32 to vector<16xi32>
    %shift_right_logical3A_785 = arith.shrui %get3A_782, %shift_right_logical3A_784 : vector<16xi32>
    %shift_right_logical3A_786 = arith.constant 14 : i32
    %shift_right_logical3A_787 = vector.broadcast %shift_right_logical3A_786 : i32 to vector<16xi32>
    %shift_right_logical3A_788 = arith.shrui %get3A_782, %shift_right_logical3A_787 : vector<16xi32>
    %and3A_789 = arith.constant 7 : i32
    %and3A_790 = vector.broadcast %and3A_789 : i32 to vector<16xi32>
    %and3A_791 = arith.andi %shift_right_logical3A_788, %and3A_790 : vector<16xi32>
    %shift_left3A_792 = arith.constant 17 : i32
    %shift_left3A_793 = vector.broadcast %shift_left3A_792 : i32 to vector<16xi32>
    %shift_left3A_794 = arith.shli %shift_right_logical3A_785, %shift_left3A_793 : vector<16xi32>
    %and3A_795 = arith.constant 16383 : i32
    %and3A_796 = vector.broadcast %and3A_795 : i32 to vector<16xi32>
    %and3A_797 = arith.andi %get3A_782, %and3A_796 : vector<16xi32>
    %shift_left3A_798 = arith.constant 3 : i32
    %shift_left3A_799 = vector.broadcast %shift_left3A_798 : i32 to vector<16xi32>
    %shift_left3A_800 = arith.shli %and3A_797, %shift_left3A_799 : vector<16xi32>
    %or3A_801 = arith.ori %shift_left3A_794, %shift_left3A_800 : vector<16xi32>
    %or3A_802 = arith.ori %or3A_801, %and3A_791 : vector<16xi32>
    %swap3A_803 = arith.constant 464 : index
    %swap3A_804 = tpu.vector_load %arg6[%swap3A_803] {strides = array<i32>} : memref<512xi32, #tpu.memory_space<vmem>>, vector<16xi32>,
    %swap3A_805 = vector.shape_cast %swap3A_804 : vector<16xi32> to vector<16xi32>
    %swap3A_806 = vector.shape_cast %or3A_802 : vector<16xi32> to vector<16xi32>
    tpu.vector_store %arg6[%swap3A_803], %swap3A_806 {strides = array<i32>} : memref<512xi32, #tpu.memory_space<vmem>>, vector<16xi32>,
    %get3A_807 = arith.constant 480 : index
    %get3A_808 = tpu.vector_load %arg5[%get3A_807] {strides = array<i32>} : memref<512xi32, #tpu.memory_space<vmem>>, vector<16xi32>,
    %get3A_809 = vector.shape_cast %get3A_808 : vector<16xi32> to vector<16xi32>
    %shift_right_logical3A_810 = arith.constant 17 : i32
    %shift_right_logical3A_811 = vector.broadcast %shift_right_logical3A_810 : i32 to vector<16xi32>
    %shift_right_logical3A_812 = arith.shrui %get3A_809, %shift_right_logical3A_811 : vector<16xi32>
    %shift_right_logical3A_813 = arith.constant 14 : i32
    %shift_right_logical3A_814 = vector.broadcast %shift_right_logical3A_813 : i32 to vector<16xi32>
    %shift_right_logical3A_815 = arith.shrui %get3A_809, %shift_right_logical3A_814 : vector<16xi32>
    %and3A_816 = arith.constant 7 : i32
    %and3A_817 = vector.broadcast %and3A_816 : i32 to vector<16xi32>
    %and3A_818 = arith.andi %shift_right_logical3A_815, %and3A_817 : vector<16xi32>
    %shift_left3A_819 = arith.constant 17 : i32
    %shift_left3A_820 = vector.broadcast %shift_left3A_819 : i32 to vector<16xi32>
    %shift_left3A_821 = arith.shli %shift_right_logical3A_812, %shift_left3A_820 : vector<16xi32>
    %and3A_822 = arith.constant 16383 : i32
    %and3A_823 = vector.broadcast %and3A_822 : i32 to vector<16xi32>
    %and3A_824 = arith.andi %get3A_809, %and3A_823 : vector<16xi32>
    %shift_left3A_825 = arith.constant 3 : i32
    %shift_left3A_826 = vector.broadcast %shift_left3A_825 : i32 to vector<16xi32>
    %shift_left3A_827 = arith.shli %and3A_824, %shift_left3A_826 : vector<16xi32>
    %or3A_828 = arith.ori %shift_left3A_821, %shift_left3A_827 : vector<16xi32>
    %or3A_829 = arith.ori %or3A_828, %and3A_818 : vector<16xi32>
    %swap3A_830 = arith.constant 480 : index
    %swap3A_831 = tpu.vector_load %arg6[%swap3A_830] {strides = array<i32>} : memref<512xi32, #tpu.memory_space<vmem>>, vector<16xi32>,
    %swap3A_832 = vector.shape_cast %swap3A_831 : vector<16xi32> to vector<16xi32>
    %swap3A_833 = vector.shape_cast %or3A_829 : vector<16xi32> to vector<16xi32>
    tpu.vector_store %arg6[%swap3A_830], %swap3A_833 {strides = array<i32>} : memref<512xi32, #tpu.memory_space<vmem>>, vector<16xi32>,
    %get3A_834 = arith.constant 496 : index
    %get3A_835 = tpu.vector_load %arg5[%get3A_834] {strides = array<i32>} : memref<512xi32, #tpu.memory_space<vmem>>, vector<16xi32>,
    %get3A_836 = vector.shape_cast %get3A_835 : vector<16xi32> to vector<16xi32>
    %shift_right_logical3A_837 = arith.constant 17 : i32
    %shift_right_logical3A_838 = vector.broadcast %shift_right_logical3A_837 : i32 to vector<16xi32>
    %shift_right_logical3A_839 = arith.shrui %get3A_836, %shift_right_logical3A_838 : vector<16xi32>
    %shift_right_logical3A_840 = arith.constant 14 : i32
    %shift_right_logical3A_841 = vector.broadcast %shift_right_logical3A_840 : i32 to vector<16xi32>
    %shift_right_logical3A_842 = arith.shrui %get3A_836, %shift_right_logical3A_841 : vector<16xi32>
    %and3A_843 = arith.constant 7 : i32
    %and3A_844 = vector.broadcast %and3A_843 : i32 to vector<16xi32>
    %and3A_845 = arith.andi %shift_right_logical3A_842, %and3A_844 : vector<16xi32>
    %shift_left3A_846 = arith.constant 17 : i32
    %shift_left3A_847 = vector.broadcast %shift_left3A_846 : i32 to vector<16xi32>
    %shift_left3A_848 = arith.shli %shift_right_logical3A_839, %shift_left3A_847 : vector<16xi32>
    %and3A_849 = arith.constant 16383 : i32
    %and3A_850 = vector.broadcast %and3A_849 : i32 to vector<16xi32>
    %and3A_851 = arith.andi %get3A_836, %and3A_850 : vector<16xi32>
    %shift_left3A_852 = arith.constant 3 : i32
    %shift_left3A_853 = vector.broadcast %shift_left3A_852 : i32 to vector<16xi32>
    %shift_left3A_854 = arith.shli %and3A_851, %shift_left3A_853 : vector<16xi32>
    %or3A_855 = arith.ori %shift_left3A_848, %shift_left3A_854 : vector<16xi32>
    %or3A_856 = arith.ori %or3A_855, %and3A_845 : vector<16xi32>
    %swap3A_857 = arith.constant 496 : index
    %swap3A_858 = tpu.vector_load %arg6[%swap3A_857] {strides = array<i32>} : memref<512xi32, #tpu.memory_space<vmem>>, vector<16xi32>,
    %swap3A_859 = vector.shape_cast %swap3A_858 : vector<16xi32> to vector<16xi32>
    %swap3A_860 = vector.shape_cast %or3A_856 : vector<16xi32> to vector<16xi32>
    tpu.vector_store %arg6[%swap3A_857], %swap3A_860 {strides = array<i32>} : memref<512xi32, #tpu.memory_space<vmem>>, vector<16xi32>,
    %dma_start3A = arith.constant 0 : i32
    %dma_start3A_861 = arith.constant 0 : i32
    %dma_start3A_862 = tpu.memref_slice %arg2[%dma_start3A, %dma_start3A_861] : memref<1048576x16xf32, #tpu.memory_space<hbm>> -> memref<1048576x16xf32, #tpu.memory_space<hbm>>
    tpu.enqueue_indirect_dma source(%dma_start3A_862 : memref<1048576x16xf32, #tpu.memory_space<hbm>>) target(%arg7 : memref<512x16xf32, #tpu.memory_space<vmem>>) offsets(%arg6 : memref<512xi32, #tpu.memory_space<vmem>>) semaphore(%arg8 : memref<!tpu.dma_semaphore, #tpu.memory_space<semaphore_mem>>)
    %dma_wait3A = arith.constant 0 : i32
    %dma_wait3A_863 = arith.constant 0 : i32
    %dma_wait3A_864 = tpu.memref_slice %arg2[%dma_wait3A, %dma_wait3A_863] : memref<1048576x16xf32, #tpu.memory_space<hbm>> -> memref<1048576x16xf32, #tpu.memory_space<hbm>>
    tpu.wait_indirect_dma semaphore(%arg8 : memref<!tpu.dma_semaphore, #tpu.memory_space<semaphore_mem>>) src(%dma_wait3A_864 : memref<1048576x16xf32, #tpu.memory_space<hbm>>) dst(%arg7 : memref<512x16xf32, #tpu.memory_space<vmem>>)
    "tpu.region"() ({
      %run_scoped3A = tpu.sem_alloc : memref<!tpu.dma_semaphore, #tpu.memory_space<semaphore_mem>>
      %dma_start3A_865 = arith.constant 0 : i32
      %dma_start3A_866 = tpu.memref_slice %arg4[%mul3A_2, %dma_start3A_865] : memref<16384x16xf32, #tpu.memory_space<hbm>> -> memref<512x16xf32, #tpu.memory_space<hbm>>
      %dma_start3A_867 = arith.constant 0 : i32
      %dma_start3A_868 = tpu.memref_slice %arg4[%mul3A_2, %dma_start3A_867] : memref<16384x16xf32, #tpu.memory_space<hbm>> -> memref<512x16xf32, #tpu.memory_space<hbm>>
      tpu.enqueue_dma source(%arg7 : memref<512x16xf32, #tpu.memory_space<vmem>>) target(%dma_start3A_868 : memref<512x16xf32, #tpu.memory_space<hbm>>) target_semaphore(%run_scoped3A : memref<!tpu.dma_semaphore, #tpu.memory_space<semaphore_mem>>)
      %dma_wait3A_869 = arith.constant 0 : i32
      %dma_wait3A_870 = tpu.memref_slice %arg4[%mul3A_2, %dma_wait3A_869] : memref<16384x16xf32, #tpu.memory_space<hbm>> -> memref<512x16xf32, #tpu.memory_space<hbm>>
      %dma_wait3A_871 = arith.constant 0 : i32
      %dma_wait3A_872 = tpu.memref_slice %arg4[%mul3A_2, %dma_wait3A_871] : memref<16384x16xf32, #tpu.memory_space<hbm>> -> memref<512x16xf32, #tpu.memory_space<hbm>>
      tpu.wait_dma2 semaphore(%run_scoped3A : memref<!tpu.dma_semaphore, #tpu.memory_space<semaphore_mem>>) src(%arg7 : memref<512x16xf32, #tpu.memory_space<vmem>>) dst(%dma_wait3A_872 : memref<512x16xf32, #tpu.memory_space<hbm>>)
      tpu.yield
    }) : () -> ()
    return
  }
}

module attributes {stable_mosaic.version = 14 : i64} {
  func.func @_mlp_body(%arg0: memref<16384x16xf32, #tpu.memory_space<vmem>>, %arg1: memref<16384x6xf32, #tpu.memory_space<vmem>>, %arg2: memref<16x64xf32, #tpu.memory_space<vmem>>, %arg3: memref<6x64xf32, #tpu.memory_space<vmem>>, %arg4: memref<1x64xf32, #tpu.memory_space<vmem>>, %arg5: memref<1x64xf32, #tpu.memory_space<vmem>>, %arg6: memref<1x64xf32, #tpu.memory_space<vmem>>, %arg7: memref<64x32xf32, #tpu.memory_space<vmem>>, %arg8: memref<1x32xf32, #tpu.memory_space<vmem>>, %arg9: memref<1x32xf32, #tpu.memory_space<vmem>>, %arg10: memref<1x32xf32, #tpu.memory_space<vmem>>, %arg11: memref<32x1xf32, #tpu.memory_space<vmem>>, %arg12: memref<1x1xf32, #tpu.memory_space<vmem>>, %arg13: memref<16384x1xf32, #tpu.memory_space<vmem>>) attributes {dimension_semantics = [], scalar_prefetch = 0 : i64, scratch_operands = 0 : i64, tpu.core_type = #tpu.core_type<tc>} {
    %get3A = arith.constant 0 : index
    %get3A_0 = arith.constant 0 : index
    %get3A_1 = vector.load %arg0[%get3A, %get3A_0] : memref<16384x16xf32, #tpu.memory_space<vmem>>, vector<16384x16xf32>
    %get3A_2 = arith.constant 0 : index
    %get3A_3 = arith.constant 0 : index
    %get3A_4 = vector.load %arg2[%get3A_2, %get3A_3] : memref<16x64xf32, #tpu.memory_space<vmem>>, vector<16x64xf32>
    %dot_general3A = arith.constant dense<0.000000e+00> : vector<16384x64xf32>
    %dot_general3A_5 = tpu.matmul %get3A_1, %get3A_4, %dot_general3A {dimension_numbers = #tpu.dot_dimension_numbers<[1], [0], [0], [1], [0, 0, 1, 1], [], []>, transpose_lhs_hint = false} : vector<16384x16xf32>, vector<16x64xf32>, vector<16384x64xf32> -> vector<16384x64xf32>
    %get3A_6 = arith.constant 0 : index
    %get3A_7 = arith.constant 0 : index
    %get3A_8 = vector.load %arg1[%get3A_6, %get3A_7] : memref<16384x6xf32, #tpu.memory_space<vmem>>, vector<16384x6xf32>
    %get3A_9 = arith.constant 0 : index
    %get3A_10 = arith.constant 0 : index
    %get3A_11 = vector.load %arg3[%get3A_9, %get3A_10] : memref<6x64xf32, #tpu.memory_space<vmem>>, vector<6x64xf32>
    %dot_general3A_12 = arith.constant dense<0.000000e+00> : vector<16384x64xf32>
    %dot_general3A_13 = tpu.matmul %get3A_8, %get3A_11, %dot_general3A_12 {dimension_numbers = #tpu.dot_dimension_numbers<[1], [0], [0], [1], [0, 0, 1, 1], [], []>, transpose_lhs_hint = false} : vector<16384x6xf32>, vector<6x64xf32>, vector<16384x64xf32> -> vector<16384x64xf32>
    %add3A = arith.addf %dot_general3A_5, %dot_general3A_13 : vector<16384x64xf32>
    %get3A_14 = arith.constant 0 : index
    %get3A_15 = arith.constant 0 : index
    %get3A_16 = vector.load %arg4[%get3A_14, %get3A_15] : memref<1x64xf32, #tpu.memory_space<vmem>>, vector<1x64xf32>
    %add3A_17 = vector.broadcast %get3A_16 : vector<1x64xf32> to vector<16384x64xf32>
    %add3A_18 = arith.addf %add3A, %add3A_17 : vector<16384x64xf32>
    %max3A = arith.constant 0.000000e+00 : f32
    %max3A_19 = vector.broadcast %max3A : f32 to vector<16384x64xf32>
    %max3A_20 = arith.maximumf %add3A_18, %max3A_19 : vector<16384x64xf32>
    %reduce_sum3A = arith.constant dense<0.000000e+00> : vector<64xf32>
    %reduce_sum3A_21 = vector.multi_reduction <add>, %max3A_20, %reduce_sum3A [0] : vector<16384x64xf32> to vector<64xf32>
    %broadcast_in_dim3A = vector.shape_cast %reduce_sum3A_21 : vector<64xf32> to vector<1x64xf32>
    %div3A = arith.constant 1.638400e+04 : f32
    %div3A_22 = vector.broadcast %div3A : f32 to vector<1x64xf32>
    %div3A_23 = arith.divf %broadcast_in_dim3A, %div3A_22 : vector<1x64xf32>
    %sub3A = vector.broadcast %div3A_23 : vector<1x64xf32> to vector<16384x64xf32>
    %sub3A_24 = arith.subf %max3A_20, %sub3A : vector<16384x64xf32>
    %integer_pow3A = arith.mulf %sub3A_24, %sub3A_24 : vector<16384x64xf32>
    %reduce_sum3A_25 = arith.constant dense<0.000000e+00> : vector<64xf32>
    %reduce_sum3A_26 = vector.multi_reduction <add>, %integer_pow3A, %reduce_sum3A_25 [0] : vector<16384x64xf32> to vector<64xf32>
    %broadcast_in_dim3A_27 = vector.shape_cast %reduce_sum3A_26 : vector<64xf32> to vector<1x64xf32>
    %div3A_28 = arith.constant 1.638400e+04 : f32
    %div3A_29 = vector.broadcast %div3A_28 : f32 to vector<1x64xf32>
    %div3A_30 = arith.divf %broadcast_in_dim3A_27, %div3A_29 : vector<1x64xf32>
    %get3A_31 = arith.constant 0 : index
    %get3A_32 = arith.constant 0 : index
    %get3A_33 = vector.load %arg5[%get3A_31, %get3A_32] : memref<1x64xf32, #tpu.memory_space<vmem>>, vector<1x64xf32>
    %sub3A_34 = vector.broadcast %div3A_23 : vector<1x64xf32> to vector<16384x64xf32>
    %sub3A_35 = arith.subf %max3A_20, %sub3A_34 : vector<16384x64xf32>
    %add3A_36 = arith.constant 9.99999974E-6 : f32
    %add3A_37 = vector.broadcast %add3A_36 : f32 to vector<1x64xf32>
    %add3A_38 = arith.addf %div3A_30, %add3A_37 : vector<1x64xf32>
    %sqrt3A = math.sqrt %add3A_38 : vector<1x64xf32>
    %div3A_39 = vector.broadcast %sqrt3A : vector<1x64xf32> to vector<16384x64xf32>
    %div3A_40 = arith.divf %sub3A_35, %div3A_39 : vector<16384x64xf32>
    %mul3A = vector.broadcast %get3A_33 : vector<1x64xf32> to vector<16384x64xf32>
    %mul3A_41 = arith.mulf %mul3A, %div3A_40 : vector<16384x64xf32>
    %get3A_42 = arith.constant 0 : index
    %get3A_43 = arith.constant 0 : index
    %get3A_44 = vector.load %arg6[%get3A_42, %get3A_43] : memref<1x64xf32, #tpu.memory_space<vmem>>, vector<1x64xf32>
    %add3A_45 = vector.broadcast %get3A_44 : vector<1x64xf32> to vector<16384x64xf32>
    %add3A_46 = arith.addf %mul3A_41, %add3A_45 : vector<16384x64xf32>
    %get3A_47 = arith.constant 0 : index
    %get3A_48 = arith.constant 0 : index
    %get3A_49 = vector.load %arg7[%get3A_47, %get3A_48] : memref<64x32xf32, #tpu.memory_space<vmem>>, vector<64x32xf32>
    %dot_general3A_50 = arith.constant dense<0.000000e+00> : vector<16384x32xf32>
    %dot_general3A_51 = tpu.matmul %add3A_46, %get3A_49, %dot_general3A_50 {dimension_numbers = #tpu.dot_dimension_numbers<[1], [0], [0], [1], [0, 0, 1, 1], [], []>, transpose_lhs_hint = false} : vector<16384x64xf32>, vector<64x32xf32>, vector<16384x32xf32> -> vector<16384x32xf32>
    %get3A_52 = arith.constant 0 : index
    %get3A_53 = arith.constant 0 : index
    %get3A_54 = vector.load %arg8[%get3A_52, %get3A_53] : memref<1x32xf32, #tpu.memory_space<vmem>>, vector<1x32xf32>
    %add3A_55 = vector.broadcast %get3A_54 : vector<1x32xf32> to vector<16384x32xf32>
    %add3A_56 = arith.addf %dot_general3A_51, %add3A_55 : vector<16384x32xf32>
    %max3A_57 = arith.constant 0.000000e+00 : f32
    %max3A_58 = vector.broadcast %max3A_57 : f32 to vector<16384x32xf32>
    %max3A_59 = arith.maximumf %add3A_56, %max3A_58 : vector<16384x32xf32>
    %reduce_sum3A_60 = arith.constant dense<0.000000e+00> : vector<32xf32>
    %reduce_sum3A_61 = vector.multi_reduction <add>, %max3A_59, %reduce_sum3A_60 [0] : vector<16384x32xf32> to vector<32xf32>
    %broadcast_in_dim3A_62 = vector.shape_cast %reduce_sum3A_61 : vector<32xf32> to vector<1x32xf32>
    %div3A_63 = arith.constant 1.638400e+04 : f32
    %div3A_64 = vector.broadcast %div3A_63 : f32 to vector<1x32xf32>
    %div3A_65 = arith.divf %broadcast_in_dim3A_62, %div3A_64 : vector<1x32xf32>
    %sub3A_66 = vector.broadcast %div3A_65 : vector<1x32xf32> to vector<16384x32xf32>
    %sub3A_67 = arith.subf %max3A_59, %sub3A_66 : vector<16384x32xf32>
    %integer_pow3A_68 = arith.mulf %sub3A_67, %sub3A_67 : vector<16384x32xf32>
    %reduce_sum3A_69 = arith.constant dense<0.000000e+00> : vector<32xf32>
    %reduce_sum3A_70 = vector.multi_reduction <add>, %integer_pow3A_68, %reduce_sum3A_69 [0] : vector<16384x32xf32> to vector<32xf32>
    %broadcast_in_dim3A_71 = vector.shape_cast %reduce_sum3A_70 : vector<32xf32> to vector<1x32xf32>
    %div3A_72 = arith.constant 1.638400e+04 : f32
    %div3A_73 = vector.broadcast %div3A_72 : f32 to vector<1x32xf32>
    %div3A_74 = arith.divf %broadcast_in_dim3A_71, %div3A_73 : vector<1x32xf32>
    %get3A_75 = arith.constant 0 : index
    %get3A_76 = arith.constant 0 : index
    %get3A_77 = vector.load %arg9[%get3A_75, %get3A_76] : memref<1x32xf32, #tpu.memory_space<vmem>>, vector<1x32xf32>
    %sub3A_78 = vector.broadcast %div3A_65 : vector<1x32xf32> to vector<16384x32xf32>
    %sub3A_79 = arith.subf %max3A_59, %sub3A_78 : vector<16384x32xf32>
    %add3A_80 = arith.constant 9.99999974E-6 : f32
    %add3A_81 = vector.broadcast %add3A_80 : f32 to vector<1x32xf32>
    %add3A_82 = arith.addf %div3A_74, %add3A_81 : vector<1x32xf32>
    %sqrt3A_83 = math.sqrt %add3A_82 : vector<1x32xf32>
    %div3A_84 = vector.broadcast %sqrt3A_83 : vector<1x32xf32> to vector<16384x32xf32>
    %div3A_85 = arith.divf %sub3A_79, %div3A_84 : vector<16384x32xf32>
    %mul3A_86 = vector.broadcast %get3A_77 : vector<1x32xf32> to vector<16384x32xf32>
    %mul3A_87 = arith.mulf %mul3A_86, %div3A_85 : vector<16384x32xf32>
    %get3A_88 = arith.constant 0 : index
    %get3A_89 = arith.constant 0 : index
    %get3A_90 = vector.load %arg10[%get3A_88, %get3A_89] : memref<1x32xf32, #tpu.memory_space<vmem>>, vector<1x32xf32>
    %add3A_91 = vector.broadcast %get3A_90 : vector<1x32xf32> to vector<16384x32xf32>
    %add3A_92 = arith.addf %mul3A_87, %add3A_91 : vector<16384x32xf32>
    %get3A_93 = arith.constant 0 : index
    %get3A_94 = arith.constant 0 : index
    %get3A_95 = vector.load %arg11[%get3A_93, %get3A_94] : memref<32x1xf32, #tpu.memory_space<vmem>>, vector<32x1xf32>
    %dot_general3A_96 = arith.constant dense<0.000000e+00> : vector<16384x1xf32>
    %dot_general3A_97 = tpu.matmul %add3A_92, %get3A_95, %dot_general3A_96 {dimension_numbers = #tpu.dot_dimension_numbers<[1], [0], [0], [1], [0, 0, 1, 1], [], []>, transpose_lhs_hint = false} : vector<16384x32xf32>, vector<32x1xf32>, vector<16384x1xf32> -> vector<16384x1xf32>
    %get3A_98 = arith.constant 0 : index
    %get3A_99 = arith.constant 0 : index
    %get3A_100 = vector.load %arg12[%get3A_98, %get3A_99] : memref<1x1xf32, #tpu.memory_space<vmem>>, vector<1x1xf32>
    %add3A_101 = vector.broadcast %get3A_100 : vector<1x1xf32> to vector<16384x1xf32>
    %add3A_102 = arith.addf %dot_general3A_97, %add3A_101 : vector<16384x1xf32>
    %swap3A = arith.constant 0 : index
    %swap3A_103 = arith.constant 0 : index
    %swap3A_104 = vector.load %arg13[%swap3A, %swap3A_103] : memref<16384x1xf32, #tpu.memory_space<vmem>>, vector<16384x1xf32>
    tpu.vector_store %arg13[%swap3A, %swap3A_103], %add3A_102 {strides = array<i32>} : memref<16384x1xf32, #tpu.memory_space<vmem>>, vector<16384x1xf32>,
    return
  }
}

module attributes {stable_mosaic.version = 14 : i64} {
  func.func @_transpose_body(%arg0: i32, %arg1: memref<16x131072xf32, #tpu.memory_space<vmem>>, %arg2: memref<16384x128xf32, #tpu.memory_space<vmem>>) attributes {dimension_semantics = [#tpu.dimension_semantics<arbitrary>], iteration_bounds = array<i64: 8>, scalar_prefetch = 0 : i64, scratch_operands = 0 : i64, tpu.core_type = #tpu.core_type<tc>, window_params = [{transform_indices = @transform_0, window_bounds = array<i64: 16, 131072>}, {transform_indices = @transform_1, window_bounds = array<i64: 16384, 128>}]} {
    %get3A = arith.constant 0 : index
    %get3A_0 = arith.constant 0 : index
    %get3A_1 = vector.load %arg1[%get3A, %get3A_0] : memref<16x131072xf32, #tpu.memory_space<vmem>>, vector<16x131072xf32>
    %slice3A = vector.extract_strided_slice %get3A_1 {offsets = [0, 0], sizes = [16, 16384], strides = [1, 1]} : vector<16x131072xf32> to vector<16x16384xf32>
    %slice3A_2 = vector.extract_strided_slice %get3A_1 {offsets = [0, 16384], sizes = [16, 16384], strides = [1, 1]} : vector<16x131072xf32> to vector<16x16384xf32>
    %slice3A_3 = vector.extract_strided_slice %get3A_1 {offsets = [0, 32768], sizes = [16, 16384], strides = [1, 1]} : vector<16x131072xf32> to vector<16x16384xf32>
    %slice3A_4 = vector.extract_strided_slice %get3A_1 {offsets = [0, 49152], sizes = [16, 16384], strides = [1, 1]} : vector<16x131072xf32> to vector<16x16384xf32>
    %slice3A_5 = vector.extract_strided_slice %get3A_1 {offsets = [0, 65536], sizes = [16, 16384], strides = [1, 1]} : vector<16x131072xf32> to vector<16x16384xf32>
    %slice3A_6 = vector.extract_strided_slice %get3A_1 {offsets = [0, 81920], sizes = [16, 16384], strides = [1, 1]} : vector<16x131072xf32> to vector<16x16384xf32>
    %slice3A_7 = vector.extract_strided_slice %get3A_1 {offsets = [0, 98304], sizes = [16, 16384], strides = [1, 1]} : vector<16x131072xf32> to vector<16x16384xf32>
    %slice3A_8 = vector.extract_strided_slice %get3A_1 {offsets = [0, 114688], sizes = [16, 16384], strides = [1, 1]} : vector<16x131072xf32> to vector<16x16384xf32>
    %concatenate3A = tpu.concatenate %slice3A, %slice3A_2, %slice3A_3, %slice3A_4, %slice3A_5, %slice3A_6, %slice3A_7, %slice3A_8 in 0 : vector<16x16384xf32>, vector<16x16384xf32>, vector<16x16384xf32>, vector<16x16384xf32>, vector<16x16384xf32>, vector<16x16384xf32>, vector<16x16384xf32>, vector<16x16384xf32> -> vector<128x16384xf32>
    %transpose3A = tpu.transpose %concatenate3A, [1, 0] : vector<128x16384xf32> -> vector<16384x128xf32>
    %swap3A = arith.constant 0 : index
    %swap3A_9 = arith.constant 0 : index
    %swap3A_10 = vector.load %arg2[%swap3A, %swap3A_9] : memref<16384x128xf32, #tpu.memory_space<vmem>>, vector<16384x128xf32>
    tpu.vector_store %arg2[%swap3A, %swap3A_9], %transpose3A {strides = array<i32>} : memref<16384x128xf32, #tpu.memory_space<vmem>>, vector<16384x128xf32>,
    return
  }
  func.func @transform_0(%arg0: i32) -> (i32, i32) {
    %c0_i32 = arith.constant 0 : i32
    %c0_i32_0 = arith.constant 0 : i32
    return %c0_i32, %arg0 : i32, i32
  }
  func.func @transform_1(%arg0: i32) -> (i32, i32) {
    %c0_i32 = arith.constant 0 : i32
    %c0_i32_0 = arith.constant 0 : i32
    return %arg0, %c0_i32 : i32, i32
  }
}

</mosaic_0001>

<sc_bundles>
// kernel: kernel.5.cloned.1.call-start
scs
__scs_entry_jumppad:
0x0: {  	(pc) =	sbr.rel $0x88, $3  }
0x1: {  	(tag) =	ssettag $0x0;
	lr =	simm.s32 $0x1  }
0x2: {  	[smem:$0x3F94] =	sst lr;
	_ =	strace $0xD0000000  }
0x3: {  	_ = 	snop  }
0x4: {  	_ = 	snop  }
0x5: {  	_ = 	snop  }
0x6: {  	_ = 	snop  }
0x7: {  	_ = 	snop  }
__scs_overlays_trampoline_lowered:
0x8: {  	[smem:$0x3FA3] =	sst s0  }
0x9: {  	[smem:$0x3FA4] =	sst s1  }
0xa: {  	[smem:$0x3FA5] =	sst s2  }
0xb: {  	[smem:$0x3FA6] =	sst s3  }
0xc: {  	[smem:$0x3FA7] =	sst s4  }
0xd: {  	[smem:$0x3FA8] =	sst s5  }
0xe: {  	[smem:$0x3FA9] =	sst s6  }
0xf: {  	[smem:$0x3FAA] =	sst s7  }
0x10: {  	[smem:$0x3FAB] =	sst s8  }
0x11: {  	[smem:$0x3FAC] =	sst s9;
	s0 =	simm.s32 @!p0 $0x0  }
0x12: {  	s1 =	sld [smem:$0x3F92];
	s0 =	simm.s32 @p0 $0x1  }
0x13: {  	[smem:$0x3FAD] =	sst s0;
	s0 =	simm.s32 @!p1 $0x0  }
0x14: {  	s2 =	sld [smem:$0x3F91];
	s0 =	simm.s32 @p1 $0x1  }
0x15: {  	[smem:$0x3FAE] =	sst s0;
	s0 =	simm.s32 @!p2 $0x0  }
0x16: {  	s3 =	sld [smem:$0x3FDB];
	s0 =	simm.s32 @p2 $0x1  }
0x17: {  	s4 =	simm.s32 $0x1BF5;
	[smem:$0x3FB0] =	sst s0  }
0x18: {  	s0 =	sld [smem:$0x3F93];
	_ =	swait.ge [sflag:s4], $0x0  }
0x19: {  	s7 =	sld [smem:$0x3F94]  }
0x1a: {  	s8 =	sadd.s32 $0xFFFFE003, lr  }
0x1b: {  	s9 =	sadd.s32 $0xFFFFFEF7, lr;
	s5 =	simm.s32 $0xFFFFFFFF;
	p2 =	slt.u32 s8, $0xFFFFF086  }
0x1c: {  	p1 =	slt.u32 s9, $0xF7A;
	s5 =	simm.s32 @!p2 $0x0  }
0x1d: {  	s5 =	simm.s32 @p1 $0x1;
	p0 =	seq.s32 s7, s2  }
0x1e: {  	s7 =	smul.u32 @!p0 $0xF7A, s2;
	p2 =	seq.s32 @!p0 s5, $0x0  }
0x1f: {  	s9 =	smul.u32 $0xF7A, s1;
	s8 =	simm.s32 @!p0 $0x1BF5;
	p2 =	por !p2, p0  }
0x20: {  	[sflag:s8] =	ssyncset.s32 @!p0 $0xFFFFF086;
	s6 =	sadd.s32 @!p0 s3, s7;
	s7 =	simm.s32 @!p0 $0x108  }
0x21: {  	s3 =	sadd.s32 s3, s9;
	s6 =	sadd.s32 @!p0 $0x88, s6;
	s7 =	simm.s32 @p2 $0x1082  }
0x22: {  	[simem:s7], [sflag:s8] =	dma.local @!p0 [hbm:s6], $0xF7A  }
0x23: {  	s9 =	sor.u32 $0xD0000000, s2;
	s6 =	simm.s32 $0x108;
	_ =	swait.ge @!p0 [sflag:s8], $0x0  }
0x24: {  	s3 =	sadd.s32 $0x88, s3;
	s6 =	simm.s32 @!p1 $0x1082;
	[sflag:s4] =	ssyncset.s32 $0xFFFFF086  }
0x25: {  	[simem:s6], [sflag:s4] =	dma.local [hbm:s3], $0xF7A  }
0x26: {  	[smem:$0x3F94] =	sst s1;
	(tag) =	ssettag s2;
	_ =	strace s9  }
0x27: {  	s1 =	sld [smem:$0x3FA4]  }
0x28: {  	s2 =	sld [smem:$0x3FA5]  }
0x29: {  	s4 =	sld [smem:$0x3FA7]  }
0x2a: {  	p0 =	seq.s32 s5, $0x0;
	s5 =	sld [smem:$0x3FA8]  }
0x2b: {  	s6 =	sld [smem:$0x3FA9]  }
0x2c: {  	s7 =	sld [smem:$0x3FAA]  }
0x2d: {  	s3 =	simm.s32 $0x108;
	s8 =	sld [smem:$0x3FAB]  }
0x2e: {  	s3 =	simm.s32 @!p0 $0x1082;
	s9 =	sld [smem:$0x3FAC]  }
0x2f: {  	lr =	sadd.s32 s0, s3;
	s0 =	sld [smem:$0x3FA3]  }
0x30: {  	s3 =	sld [smem:$0x3FA6]  }
0x31: {  	[smem:$0x3FAF] =	sst s10  }
0x32: {  	s10 =	sld [smem:$0x3FAD];
	_ =	sdelay $0x3  }
0x33: {  	p0 =	seq.s32 s10, $0x1;
	s10 =	sld [smem:$0x3FAF];
	_ =	sdelay $0x3  }
0x34: {  	[smem:$0x3FAF] =	sst s10  }
0x35: {  	s10 =	sld [smem:$0x3FAE];
	_ =	sdelay $0x3  }
0x36: {  	p1 =	seq.s32 s10, $0x1;
	s10 =	sld [smem:$0x3FAF];
	_ =	sdelay $0x3  }
0x37: {  	[smem:$0x3FAF] =	sst s10  }
0x38: {  	s10 =	sld [smem:$0x3FB0]  }
0x39: {  	_ = 	snop;
	(pc) =	sbr.ind lr, $3  }
0x3a: {  	_ = 	snop  }
0x3b: {  	_ = 	snop  }
0x3c: {  	p2 =	seq.s32 s10, $0x1;
	s10 =	sld [smem:$0x3FAF]  }
0x3d: {  	_ =	shalt  }
0x3e: {  	_ =	shalt  }
0x3f: {  	_ =	shalt  }
0x40: {  	_ =	shalt  }
0x41: {  	_ =	shalt  }
0x42: {  	_ =	shalt  }
0x43: {  	_ =	shalt  }
0x44: {  	_ =	shalt  }
0x45: {  	_ =	shalt  }
0x46: {  	_ =	shalt  }
0x47: {  	_ =	shalt  }
0x48: {  	_ =	shalt  }
0x49: {  	_ =	shalt  }
0x4a: {  	_ =	shalt  }
0x4b: {  	_ =	shalt  }
0x4c: {  	_ =	shalt  }
0x4d: {  	_ =	shalt  }
0x4e: {  	_ =	shalt  }
0x4f: {  	_ =	shalt  }
0x50: {  	_ =	shalt  }
0x51: {  	_ =	shalt  }
0x52: {  	_ =	shalt  }
0x53: {  	_ =	shalt  }
0x54: {  	_ =	shalt  }
0x55: {  	_ =	shalt  }
0x56: {  	_ =	shalt  }
0x57: {  	_ =	shalt  }
0x58: {  	_ =	shalt  }
0x59: {  	_ =	shalt  }
0x5a: {  	_ =	shalt  }
0x5b: {  	_ =	shalt  }
0x5c: {  	_ =	shalt  }
0x5d: {  	_ =	shalt  }
0x5e: {  	_ =	shalt  }
0x5f: {  	_ =	shalt  }
0x60: {  	_ =	shalt  }
0x61: {  	_ =	shalt  }
0x62: {  	_ =	shalt  }
0x63: {  	_ =	shalt  }
0x64: {  	_ =	shalt  }
0x65: {  	_ =	shalt  }
0x66: {  	_ =	shalt  }
0x67: {  	_ =	shalt  }
0x68: {  	_ =	shalt  }
0x69: {  	_ =	shalt  }
0x6a: {  	_ =	shalt  }
0x6b: {  	_ =	shalt  }
0x6c: {  	_ =	shalt  }
0x6d: {  	_ =	shalt  }
0x6e: {  	_ =	shalt  }
0x6f: {  	_ =	shalt  }
0x70: {  	_ =	shalt  }
0x71: {  	_ =	shalt  }
0x72: {  	_ =	shalt  }
0x73: {  	_ =	shalt  }
0x74: {  	_ =	shalt  }
0x75: {  	_ =	shalt  }
0x76: {  	_ =	shalt  }
0x77: {  	_ =	shalt  }
0x78: {  	_ =	shalt  }
0x79: {  	_ =	shalt  }
0x7a: {  	_ =	shalt  }
0x7b: {  	_ =	shalt  }
0x7c: {  	_ =	shalt  }
0x7d: {  	_ =	shalt  }
0x7e: {  	_ =	shalt  }
0x7f: {  	_ =	shalt  }
0x80: {  	_ =	shalt  }
0x81: {  	_ =	shalt  }
0x82: {  	_ =	shalt  }
0x83: {  	_ =	shalt  }
0x84: {  	_ =	shalt  }
0x85: {  	_ =	shalt  }
0x86: {  	_ =	shalt  }
0x87: {  	_ =	shalt  }
.Lfunc_end0:
.L_simem_size_0:
called_computation_lowered:
.L_overlay_start_0:
0x88: {  	s2 =	sld [smem:$0x3FD9]  }
0x89: {  	s3 =	sld [smem:$0x3FFE];
	_ =	sdelay $0x1  }
0x8a: {  	s1 =	srdreg.scid  }
0x8b: {  	s0 =	sand.u32 $0x1, s1  }
0x8c: {  	s17 =	sshll.u32 s0, $0xA;
	s2 =	sadd.s32 s3, s2  }
0x8d: {  	s2 =	sadd.s32 s2, s17  }
0x8e: {  	[smem:$0x3FBB] =	sst s2  }
0x8f: {  	_ = 	snop  }
0x90: {  	s2 =	sld [smem:$0x3FC9];
	(tm) =	ssettm $0x1  }
0x91: {  	s18 =	sld [smem:$0x3FFB];
	_ =	sdelay $0x3  }
0x92: {  	_ =	strace s18  }
0x93: {  	s3 =	sld [smem:$0x3FFC];
	_ =	sdelay $0x3  }
0x94: {  	_ =	strace s3  }
0x95: {  	s3 =	sld [smem:$0x3FFD];
	_ =	sdelay $0x3  }
0x96: {  	_ =	strace s3  }
0x97: {  	_ =	strace $0x8FFFFFFF  }
0x98: {  	s19 =	sld [smem:$0x3FDB];
	_ =	sdelay $0x1  }
0x99: {  	s4 =	simm.s32 $_scs_section_size  }
0x9a: {  	s5 =	simm.s32 $_size__tile_overlayer_lowered;
	s6 =	simm.s32 $_tile_overlayer_lowered  }
0x9b: {  	s22 =	simm.s32 $0x1BFF;
	s21 =	sshll.u32 s6, $0x1;
	s3 =	sadd.s32 s4, s19  }
0x9c: {  	s7 =	simm.s32 $0x0;
	s20 =	sshll.u32 s5, $0x1;
	s5 =	sadd.s32 s21, s3  }
0x9d: {  	[timem:s7], [sflag:s22] =	dma.local [hbm:s5], s20  }
0x9e: {  	_ =	swait.ge [sflag:s22], s20  }
0x9f: {  	s4 =	ssub.s32 $0x0, s20;
	[sflag:s22] =	ssyncset.done $0x0  }
0xa0: {  	[sflag:s22] =	ssyncadd.s32 s4;
	_ =	sdelay $0x1  }
0xa1: {  	s23 =	simm.s32 $0x1B8B  }
0xa2: {  	_ =	swait.ge [sflag:s23], $0x1  }
0xa3: {  	[sflag:s23] =	ssyncset.done $0x0  }
0xa4: {  	s25 =	simm.s32 $0x1B8E;
	s24 =	sld [smem:$0x3FFE];
	[sflag:s23] =	ssyncadd.s32 $0xFFFFFFFF  }
0xa5: {  	s26 =	simm.s32 $execute0_lowered;
	[smem:$0x3FD2] =	sst s25  }
0xa6: {  	s5 =	sshll.u32 s26, $0x1;
	_ =	strace $0x80000046;
	[dreg:$0x1] =	wrdreg $0xFFFFFFFF  }
0xa7: {  	s28 =	simm.s32 $_size_execute0_lowered;
	s3 =	sadd.s32 s3, s5;
	[dreg:$0x0] =	wrdreg $0x0  }
0xa8: {  	s5 =	sshll.u32 s28, $0x1;
	[dreg:$0x2] =	wrdreg s3  }
0xa9: {  	[dreg:$0x3] =	wrdreg s5  }
0xaa: {  	[dreg:$0x4] =	wrdreg $0xC0  }
0xab: {  	_ =	task [dreg:s7], $0x5FFFF  }
0xac: {  	[dreg:$0x1] =	wrdreg $0xFFFFFFFF  }
0xad: {  	[dreg:$0x0] =	wrdreg $0x60  }
0xae: {  	[dreg:$0x2] =	wrdreg s24  }
0xaf: {  	[dreg:$0x3] =	wrdreg s2  }
0xb0: {  	[dreg:$0x4] =	wrdreg $0x9  }
0xb1: {  	_ =	task.clear_ibuf [dreg:s7], $0x5FFFF;
	_ =	strace $0x90000046  }
0xb2: {  	s29 =	simm.s32 $0x9;
	_ =	strace $0x80000048  }
0xb3: {  	_ =	swait.ge [sflag:s29], $0x1  }
0xb4: {  	[sflag:s29] =	ssyncadd.s32 $0xFFFFFFFF  }
0xb5: {  	_ =	strace $0x90000048  }
0xb6: {  	_ =	sfence  }
0xb7: {  	s30 =	sld [smem:$0x0];
	_ =	sdelay $0x2  }
0xb8: {  	s31 =	sshll.u32 s1, $0xD;
	s1 =	sshrl.u32 s1, $0x2  }
0xb9: {  	s3 =	sand.u32 $0x4000, s31;
	s1 =	sadd.s32 s1, s30  }
0xba: {  	s0 =	sor.u32 s3, s0;
	s1 =	sshll.u32 s1, $0x11  }
0xbb: {  	s0 =	sor.u32 s1, s0  }
0xbc: {  	s0 =	sadd.s32 $0x8F2B, s0  }
0xbd: {  	[sflag:s0] =	ssyncadd.remote.s32 $0x1  }
0xbe: {  	_ =	sfence.sel $0xFFFF  }
0xbf: {  	[dreg:$0x0] =	wrdreg $0xFFFFFFFF;
	(pc) =	sbr.abs _section_cstart, $3  }
0xc0: {  	[dreg:$0x1] =	wrdreg $0xFFFFFFFF  }
0xc1: {  	_ =	task.clear_ibuf [dreg:s7], $0x2FFFF;
	_ =	strace $0x9FFFFFFF  }
0xc2: {  	(tm) =	ssettm $0x7FFFFFFF  }
0xc3: {  	_ =	shalt  }
tec
execute0_lowered:
.L_overlay_start_1:
0x0: {  	(tag) =	ssettag $0x1  }
0x1: {  	s4 =	rddreg [dreg:$0x0]  }
0x2: {  	s5 =	rddreg [dreg:$0x1]  }
0x3: {  	s0 =	rddreg [dreg:$0x2];
	s2 =	simm.s32 $0x0;
	s3 =	srdreg.scid  }
0x4: {  	s1 =	stileid.u32;
	s10 =	simm.s32 $0x1;
	s6 =	sand.u32 $0x1, s3  }
0x5: {  	[smem:$0x7FF] =	sst s2;
	s7 =	sshll.u32 s1, $0xA;
	s8 =	sshll.u32 s6, $0x9  }
0x6: {  	s3 =	sadd.s32 $0x1400, s4;
	s6 =	ssub.s32 $0x2, s6;
	s7 =	sor.u32 s8, s7  }
0x7: {  	_ =	strace $0x80000047;
	s9 =	sshrl.u32 s6, $0x1;
	s8 =	sshll.u32 s7, $0x1  }
0x8: {  	s7 =	sshrl.u32 s7, $0x3;
	s6 =	ssub.s32 s6, s9;
	s9 =	simm.s32 $0x400  }
0x9: {  	s8 =	sadd.s32 s8, s4;
	s4 =	sadd.s32 s5, s7;
	s6 =	smax.u32 s6, $0x1  }
0xa: {  	s7 =	simm.s32 $0x2;
	s5 =	sadd.s32 $0x201400, s8;
	s8 =	simm.s32 $0x200  }
.LBB2_1:
0xb: {  	[tilespmem:s2], [sflag:$0x2] =	stream.linear.gather [hbm4b:s4+s2], $0x200, $0x38;
	[tilespmem:$0x2400] =	vst v63  }
0xc: {  	_ =	swait.ge [sflag:s7], $0x200  }
0xd: {  	[sflag:s7] =	ssyncset.done $0x0  }
0xe: {  	[sflag:s7] =	ssyncadd.s32 $0xFFFFFE00  }
0xf: {  	v0 =	vld [tilespmem:$0x0]  }
0x10: {  	v1 =	vld [tilespmem:$0x10]  }
0x11: {  	v3 =	vld [tilespmem:$0x20]  }
0x12: {  	v5 =	vld [tilespmem:$0x30]  }
0x13: {  	v7 =	vld [tilespmem:$0x40]  }
0x14: {  	v9 =	vld [tilespmem:$0x50]  }
0x15: {  	v46 =	vld [tilespmem:$0x60]  }
0x16: {  	v51 =	vld [tilespmem:$0x70];
	v2 =	vshll.u32 v0, $0x3  }
0x17: {  	v54 =	vld [tilespmem:$0x80];
	v4 =	vand.u32 $0xFFFE0000, v0;
	v0 =	vshrl.u32 v0, $0xE;
	v40 =	vshll.u32 v1, $0x3  }
0x18: {  	v56 =	vld [tilespmem:$0x90];
	v6 =	vand.u32 $0xFFFE0000, v1;
	v1 =	vshrl.u32 v1, $0xE;
	v42 =	vand.u32 $0xFFFE0000, v3  }
0x19: {  	v13 =	vld [tilespmem:$0xA0];
	v43 =	vshrl.u32 v3, $0xE;
	v3 =	vshll.u32 v3, $0x3;
	v8 =	vshll.u32 v5, $0x3  }
0x1a: {  	v15 =	vld [tilespmem:$0xB0];
	v10 =	vand.u32 $0xFFFE0000, v5;
	v5 =	vshrl.u32 v5, $0xE;
	v47 =	vand.u32 $0xFFFE0000, v7  }
0x1b: {  	v63 =	vld [tilespmem:$0xC0];
	v48 =	vshrl.u32 v7, $0xE;
	v49 =	vshll.u32 v7, $0x3;
	v50 =	vshll.u32 v9, $0x3  }
0x1c: {  	v23 =	vld [tilespmem:$0xD0];
	v11 =	vand.u32 $0xFFFE0000, v9;
	v9 =	vshrl.u32 v9, $0xE;
	v53 =	vshll.u32 v46, $0x3  }
0x1d: {  	v26 =	vld [tilespmem:$0xE0];
	v55 =	vand.u32 $0xFFFE0000, v46;
	v57 =	vshll.u32 v51, $0x3;
	v12 =	vand.u32 $0xFFFE0000, v51  }
0x1e: {  	v19 =	vld [tilespmem:$0x100];
	v59 =	vand.u32 $0xFFFE0000, v54;
	v60 =	vshrl.u32 v54, $0xE;
	v14 =	vshll.u32 v56, $0x3  }
0x1f: {  	v16 =	vand.u32 $0xFFFE0000, v56;
	v20 =	vand.u32 $0xFFFE0000, v13;
	v21 =	vshrl.u32 v13, $0xE  }
0x20: {  	v13 =	vshll.u32 v13, $0x3;
	v22 =	vshll.u32 v15, $0x3;
	v17 =	vand.u32 $0xFFFE0000, v15  }
0x21: {  	v15 =	vshrl.u32 v15, $0xE;
	v25 =	vshll.u32 v63, $0x3;
	v27 =	vand.u32 $0xFFFE0000, v63  }
0x22: {  	v29 =	vshll.u32 v23, $0x3;
	v18 =	vand.u32 $0xFFFE0000, v23;
	v31 =	vand.u32 $0xFFFE0000, v26  }
0x23: {  	v32 =	vshrl.u32 v26, $0xE;
	v37 =	vand.u32 $0xFFFE0000, v19;
	v38 =	vshrl.u32 v19, $0xE  }
0x24: {  	v19 =	vshll.u32 v19, $0x3;
	v2 =	vand.u32 $0x1FFF8, v2;
	v0 =	vand.u32 $0x7, v0  }
0x25: {  	v1 =	vand.u32 $0x7, v1;
	v3 =	vand.u32 $0x1FFF8, v3;
	v8 =	vand.u32 $0x1FFF8, v8  }
0x26: {  	v44 =	vand.u32 $0x7, v5;
	v5 =	vand.u32 $0x7, v48;
	v7 =	vand.u32 $0x1FFF8, v50  }
0x27: {  	v52 =	vand.u32 $0x7, v9;
	v9 =	vand.u32 $0x1FFF8, v57;
	v14 =	vand.u32 $0x1FFF8, v14  }
0x28: {  	v13 =	vand.u32 $0x1FFF8, v13;
	v24 =	vand.u32 $0x7, v15;
	v15 =	vand.u32 $0x1FFF8, v29  }
0x29: {  	v28 =	vld [tilespmem:$0xF0];
	v19 =	vand.u32 $0x1FFF8, v19;
	v2 =	vor.u32 v4, v2;
	v4 =	vand.u32 $0x1FFF8, v40  }
0x2a: {  	v3 =	vor.u32 v42, v3;
	v45 =	vor.u32 v10, v8;
	v7 =	vor.u32 v11, v7  }
0x2b: {  	v10 =	vshrl.u32 v51, $0xE;
	v9 =	vor.u32 v12, v9;
	v12 =	vand.u32 $0x7, v60  }
0x2c: {  	v11 =	vshrl.u32 v56, $0xE;
	v62 =	vor.u32 v16, v14;
	v14 =	vand.u32 $0x1FFF8, v22  }
0x2d: {  	v36 =	vld [tilespmem:$0x120];
	v16 =	vshrl.u32 v23, $0xE;
	v15 =	vor.u32 v18, v15;
	v18 =	vand.u32 $0x7, v32  }
0x2e: {  	v22 =	vand.u32 $0xFFFE0000, v28;
	v0 =	vor.u32 v0, v2;
	v41 =	vor.u32 v6, v4  }
0x2f: {  	v6 =	vand.u32 $0x7, v43;
	v58 =	vand.u32 $0x7, v10;
	v61 =	vand.u32 $0x7, v11  }
0x30: {  	v11 =	vor.u32 v20, v13;
	v14 =	vor.u32 v17, v14;
	v10 =	vshrl.u32 v63, $0xE  }
0x31: {  	v13 =	vand.u32 $0x1FFF8, v25;
	v30 =	vand.u32 $0x7, v16;
	v20 =	vshll.u32 v28, $0x3  }
0x32: {  	v17 =	vshrl.u32 v28, $0xE;
	v16 =	vshrl.u32 v36, $0xE;
	v8 =	vor.u32 v1, v41  }
0x33: {  	v2 =	vor.u32 v6, v3;
	v1 =	vor.u32 v44, v45;
	v6 =	vand.u32 $0x1FFF8, v49  }
0x34: {  	v3 =	vshrl.u32 v46, $0xE;
	v10 =	vand.u32 $0x7, v10;
	v13 =	vor.u32 v27, v13  }
0x35: {  	v20 =	vand.u32 $0x1FFF8, v20;
	v33 =	vand.u32 $0x7, v17;
	v17 =	vor.u32 v37, v19  }
0x36: {  	v57 =	vld [tilespmem:$0x170];
	v44 =	vshll.u32 v36, $0x3;
	v45 =	vand.u32 $0xFFFE0000, v36;
	v16 =	vand.u32 $0x7, v16  }
0x37: {  	v4 =	vor.u32 v47, v6;
	v6 =	vand.u32 $0x1FFF8, v53;
	v3 =	vand.u32 $0x7, v3  }
0x38: {  	v40 =	vld [tilespmem:$0x130];
	v10 =	vor.u32 v10, v13;
	v34 =	vor.u32 v22, v20;
	v13 =	vor.u32 v30, v15  }
0x39: {  	v42 =	vld [tilespmem:$0x140];
	v19 =	vand.u32 $0x1FFF8, v44;
	v4 =	vor.u32 v5, v4;
	v5 =	vor.u32 v52, v7  }
0x3a: {  	v32 =	vld [tilespmem:$0x1B0];
	v6 =	vor.u32 v55, v6;
	v7 =	vshll.u32 v54, $0x3;
	v35 =	vor.u32 v33, v34  }
0x3b: {  	v63 =	vld [tilespmem:$0x180];
	v19 =	vor.u32 v45, v19;
	v25 =	vand.u32 $0xFFFE0000, v57;
	v3 =	vor.u32 v3, v6  }
0x3c: {  	v28 =	vld [tilespmem:$0x1A0];
	v7 =	vand.u32 $0x1FFF8, v7;
	v6 =	vor.u32 v58, v9;
	v9 =	vor.u32 v61, v62  }
0x3d: {  	v46 =	vshll.u32 v40, $0x3;
	v48 =	vor.u32 v16, v19;
	v49 =	vand.u32 $0xFFFE0000, v40  }
0x3e: {  	v51 =	vshrl.u32 v40, $0xE;
	v52 =	vshll.u32 v42, $0x3;
	v54 =	vand.u32 $0xFFFE0000, v42  }
0x3f: {  	v37 =	vld [tilespmem:$0x1D0];
	v40 =	vshll.u32 v32, $0x3;
	v7 =	vor.u32 v59, v7;
	v50 =	vand.u32 $0x1FFF8, v46  }
0x40: {  	v19 =	vand.u32 $0x1FFF8, v52;
	v55 =	vand.u32 $0x7, v51;
	v29 =	vshll.u32 v63, $0x3  }
0x41: {  	[tilespmem:$0x210] =	vst v8;
	v30 =	vand.u32 $0xFFFE0000, v63;
	v8 =	vshrl.u32 v63, $0xE;
	v34 =	vshll.u32 v28, $0x3  }
0x42: {  	v47 =	vld [tilespmem:$0x150];
	[tilespmem:$0x290] =	vst v9;
	v36 =	vand.u32 $0xFFFE0000, v28;
	v9 =	vshrl.u32 v28, $0xE;
	v7 =	vor.u32 v12, v7  }
0x43: {  	v53 =	vld [tilespmem:$0x160];
	[tilespmem:$0x220] =	vst v2;
	v12 =	vand.u32 $0x7, v21;
	v16 =	vor.u32 v49, v50;
	v2 =	vor.u32 v54, v19  }
0x44: {  	v8 =	vand.u32 $0x7, v8;
	v9 =	vand.u32 $0x7, v9;
	v49 =	vshll.u32 v37, $0x3  }
0x45: {  	v51 =	vand.u32 $0xFFFE0000, v37;
	v52 =	vshrl.u32 v37, $0xE;
	v11 =	vor.u32 v12, v11  }
0x46: {  	[tilespmem:$0x230] =	vst v1;
	v45 =	vld [tilespmem:$0x1E0];
	v12 =	vor.u32 v24, v14;
	v14 =	vshll.u32 v26, $0x3;
	v1 =	vor.u32 v55, v16  }
0x47: {  	[tilespmem:$0x2F0] =	vst v35;
	v35 =	vld [tilespmem:$0x1C0];
	v58 =	vshll.u32 v47, $0x3;
	v59 =	vand.u32 $0xFFFE0000, v47;
	v60 =	vshrl.u32 v47, $0xE  }
0x48: {  	[tilespmem:$0x240] =	vst v4;
	v62 =	vshll.u32 v53, $0x3;
	v22 =	vshrl.u32 v53, $0xE;
	v26 =	vshrl.u32 v57, $0xE  }
0x49: {  	[tilespmem:$0x250] =	vst v5;
	v21 =	vld [tilespmem:$0x110];
	v14 =	vand.u32 $0x1FFF8, v14;
	v4 =	vand.u32 $0x1FFF8, v58;
	v61 =	vand.u32 $0x7, v60  }
0x4a: {  	[tilespmem:$0x270] =	vst v6;
	v5 =	vand.u32 $0x1FFF8, v62;
	v6 =	vand.u32 $0x7, v22;
	v27 =	vand.u32 $0x7, v26  }
0x4b: {  	[tilespmem:$0x200] =	vst v0;
	v50 =	vld [tilespmem:$0x1F0];
	v58 =	vshrl.u32 v45, $0xE;
	v14 =	vor.u32 v31, v14;
	v4 =	vor.u32 v59, v4  }
0x4c: {  	[tilespmem:$0x320] =	vst v48;
	v44 =	vshll.u32 v35, $0x3;
	v46 =	vand.u32 $0xFFFE0000, v35;
	v48 =	vshrl.u32 v35, $0xE  }
0x4d: {  	[tilespmem:$0x260] =	vst v3;
	v24 =	vld [tilespmem:$0x190];
	v14 =	vor.u32 v18, v14;
	v18 =	vand.u32 $0x7, v38;
	v3 =	vor.u32 v61, v4  }
0x4e: {  	[tilespmem:$0x2C0] =	vst v10;
	v47 =	vand.u32 $0x1FFF8, v44;
	v39 =	vshll.u32 v21, $0x3;
	v23 =	vand.u32 $0xFFFE0000, v21  }
0x4f: {  	v21 =	vshrl.u32 v21, $0xE;
	v17 =	vor.u32 v18, v17;
	[tilespmem:$0x350] =	vst v3;
	v3 =	vand.u32 $0x1FFF8, v49  }
0x50: {  	[tilespmem:$0x2D0] =	vst v13;
	v60 =	vshll.u32 v50, $0x3;
	v61 =	vand.u32 $0xFFFE0000, v50;
	v62 =	vshrl.u32 v50, $0xE  }
0x51: {  	[tilespmem:$0x280] =	vst v7;
	v20 =	vand.u32 $0x1FFF8, v39;
	v41 =	vand.u32 $0x7, v21;
	v21 =	vshrl.u32 v42, $0xE  }
0x52: {  	[tilespmem:$0x2A0] =	vst v11;
	v31 =	vshll.u32 v24, $0x3;
	v33 =	vand.u32 $0xFFFE0000, v24;
	v7 =	vshrl.u32 v24, $0xE  }
0x53: {  	[tilespmem:$0x2B0] =	vst v12;
	v42 =	vshrl.u32 v32, $0xE;
	v3 =	vor.u32 v51, v3;
	v63 =	vand.u32 $0x7, v62  }
0x54: {  	[tilespmem:$0x330] =	vst v1;
	v20 =	vor.u32 v23, v20;
	v56 =	vand.u32 $0x7, v21;
	v21 =	vand.u32 $0xFFFE0000, v53  }
0x55: {  	[tilespmem:$0x2E0] =	vst v14;
	v23 =	vshll.u32 v57, $0x3;
	v10 =	vand.u32 $0x1FFF8, v31;
	v7 =	vand.u32 $0x7, v7  }
0x56: {  	[tilespmem:$0x300] =	vst v17;
	v53 =	vand.u32 $0x7, v52;
	v57 =	vand.u32 $0xFFFE0000, v45;
	v43 =	vor.u32 v41, v20  }
0x57: {  	v2 =	vor.u32 v56, v2;
	v4 =	vor.u32 v21, v5;
	v5 =	vand.u32 $0x1FFF8, v23;
	[tilespmem:$0x310] =	vst v43  }
0x58: {  	v41 =	vand.u32 $0xFFFE0000, v32;
	v55 =	vor.u32 v53, v3;
	v56 =	vshll.u32 v45, $0x3;
	[tilespmem:$0x340] =	vst v2  }
0x59: {  	v5 =	vor.u32 v25, v5;
	v4 =	vor.u32 v6, v4;
	v6 =	vand.u32 $0x1FFF8, v29;
	[tilespmem:$0x3D0] =	vst v55  }
0x5a: {  	v43 =	vand.u32 $0x7, v42;
	v5 =	vor.u32 v27, v5;
	v6 =	vor.u32 v30, v6;
	[tilespmem:$0x360] =	vst v4  }
0x5b: {  	v2 =	vor.u32 v46, v47;
	v4 =	vand.u32 $0x7, v48;
	v6 =	vor.u32 v8, v6;
	[tilespmem:$0x370] =	vst v5  }
0x5c: {  	v8 =	vor.u32 v33, v10;
	v10 =	vand.u32 $0x1FFF8, v34;
	v54 =	vor.u32 v4, v2;
	[tilespmem:$0x380] =	vst v6  }
0x5d: {  	v4 =	vand.u32 $0x1FFF8, v60;
	v10 =	vor.u32 v36, v10;
	v38 =	vor.u32 v7, v8;
	[tilespmem:$0x3C0] =	vst v54  }
0x5e: {  	v8 =	vand.u32 $0x1FFF8, v40;
	v0 =	vor.u32 v61, v4;
	v39 =	vor.u32 v9, v10;
	[tilespmem:$0x390] =	vst v38  }
0x5f: {  	v3 =	vand.u32 $0x1FFF8, v56;
	v1 =	vor.u32 v41, v8;
	v0 =	vor.u32 v63, v0;
	[tilespmem:$0x3A0] =	vst v39  }
0x60: {  	v59 =	vand.u32 $0x7, v58;
	v3 =	vor.u32 v57, v3;
	v1 =	vor.u32 v43, v1;
	[tilespmem:$0x3F0] =	vst v0  }
0x61: {  	[tilespmem:$0x3B0] =	vst v1;
	v1 =	vor.u32 v59, v3  }
0x62: {  	[tilespmem:$0x3E0] =	vst v1  }
0x63: {  	[tilespmem:s9], [sflag:$0x1] =	stream.indirect.gather [hbm4b:s3+s8], $0x10, s8, s8, $0xb8;
	[tilespmem:$0x2400] =	vst v63  }
0x64: {  	_ =	swait.ge [sflag:s10], $0x2000  }
0x65: {  	p0 =	sne.s32 s6, $0x1;
	[sflag:s10] =	ssyncset.done $0x0  }
.Ltmp0:
0x66: {  	[sflag:s10] =	ssyncadd.s32 $0xFFFFE000;
	(pc) =	sbr.rel @p0 .LBB2_1-.Ltmp0, $4  }
0x67: {  	[hbm4b:s5+s2] =	stream.linear.scatter [tilespmem:s9], [sflag:$0x2], $0x2000, $0x38;
	[tilespmem:$0x2400] =	vst v63  }
0x68: {  	_ =	swait.ge [sflag:s7], $0x2000  }
0x69: {  	[sflag:s7] =	ssyncset.done $0x0  }
0x6a: {  	s6 =	sadd.s32 $0xFFFFFFFF, s6;
	[sflag:s7] =	ssyncadd.s32 $0xFFFFE000  }
0x6b: {  	_ =	sfence.sel $0x180000  }
0x6c: {  	[bflag:$0x0] =	sbarrier.arrive $0xFFFF  }
0x6d: {  	p0 =	sne.s32 s1, $0x0;
	_ =	strace $0x90000047  }
0x6e: {  	s0 =	sadd.s32 @!p0 $0x100000, s0;
	[bflag:$0x2] =	sbarrier.arrive $0xFFFF  }
0x6f: {  	[sflag:s0] =	ssyncadd.tile.s32 @!p0 $0x1;
	_ =	shalt  }
.Lfunc_end2:
_tile_overlayer_lowered:
.L_overlay_start_2:
0x70: {  	(tag) =	ssettag $0x2  }
0x71: {  	s0 =	rddreg [dreg:$0x0];
	s2 =	stileid.u32  }
0x72: {  	s1 =	rddreg [dreg:$0x1];
	p0 =	sne.s32 s2, $0x0  }
0x73: {  	s3 =	rddreg [dreg:$0x2];
	[bflag:$0x3] =	sbarrier.arrive $0xFFFF;
	s2 =	simm.s32 @!p0 $0x1C02  }
0x74: {  	[timem:s3], [sflag:s2] =	dma.local @!p0 [hbm:s0], s1  }
0x75: {  	s0 =	simm.s32 @!p0 $0x2  }
0x76: {  	_ =	swait.ge @!p0 [sflag:s0], s1  }
0x77: {  	s1 =	ssub.s32 @!p0 $0x0, s1;
	[sflag:s0] =	ssyncset.done @!p0 $0x0  }
0x78: {  	[sflag:s0] =	ssyncadd.s32 @!p0 s1  }
0x79: {  	[bflag:$0x3] =	sbarrier.arrive $0xFFFF  }
0x7a: {  	_ =	shalt  }

</sc_bundles>
